<compile_context>
chip_gen: v7x
topology: tpu7x:2x2x1
jax: 0.10.2.dev20260603
libtpu: 0.0.44.dev20260713+nightly
codegen_flags: <defaults>
</compile_context>

<pallas_src>
import functools

import jax
import jax.numpy as jnp
from jax import lax
from jax.experimental import pallas as pl
from jax.experimental.pallas import tpu as pltpu
from jax.experimental.pallas import tpu_sc as plsc

NC = 2
NS = 16
L = 16


def _sc_mesh():
  return plsc.VectorSubcoreMesh(core_axis_name="c", subcore_axis_name="s")


def _make_deg_kernel(E, Np, CH):
  per_tile = E // (NC * NS)
  n_chunks = per_tile // CH
  T = Np // NS

  def body(col_hbm, out_hbm, colv, ones_v, zb, acc_sh):
    cid = lax.axis_index("c")
    sid = lax.axis_index("s")
    w = cid * NS + sid

    for i in range(CH // L):
      ones_v[pl.ds(i * L, L)] = jnp.ones((L,), jnp.float32)
    for i in range(T // L):
      zb[pl.ds(i * L, L)] = jnp.zeros((L,), jnp.float32)
    pltpu.sync_copy(zb, acc_sh.at[pl.ds(sid * T, T)])
    plsc.subcore_barrier()

    def chunk(i, carry):
      base = w * per_tile + i * CH
      pltpu.sync_copy(col_hbm.at[pl.ds(base, CH)], colv)
      pltpu.sync_copy(ones_v, acc_sh.at[colv], add=True)
      return carry

    lax.fori_loop(0, n_chunks, chunk, 0)
    plsc.subcore_barrier()
    pltpu.sync_copy(acc_sh.at[pl.ds(sid * T, T)],
                    out_hbm.at[cid, pl.ds(sid * T, T)])

  return pl.kernel(
      body,
      out_type=jax.ShapeDtypeStruct((NC, Np), jnp.float32),
      mesh=_sc_mesh(),
      scratch_types=[
          pltpu.VMEM((CH,), jnp.int32),
          pltpu.VMEM((CH,), jnp.float32),
          pltpu.VMEM((T,), jnp.float32),
          pltpu.VMEM_SHARED((Np,), jnp.float32),
      ],
  )


def _make_agg_kernel(E, Np, D, CH):
  per_tile = E // NS
  n_chunks = per_tile // CH
  T = Np // NS

  def body(y_hbm, xn_hbm, row_hbm, col_hbm, a2_hbm, out_hbm,
           rowv, colv, a2v, rows, acc_sh, sem):
    cid = lax.axis_index("c")
    sid = lax.axis_index("s")

    def zrow(e, carry):
      for f in range(D // L):
        rows[e, pl.ds(f * L, L)] = jnp.zeros((L,), jnp.float32)
      return carry

    lax.fori_loop(0, CH, zrow, 0)
    for k in range(T // CH):
      pltpu.sync_copy(rows, acc_sh.at[pl.ds(sid * T + k * CH, CH)])
    plsc.subcore_barrier()

    def chunk(i, carry):
      base = sid * per_tile + i * CH
      pltpu.sync_copy(row_hbm.at[pl.ds(base, CH)], rowv)
      pltpu.sync_copy(col_hbm.at[pl.ds(base, CH)], colv)

      @pl.when(cid == 0)
      def _():
        pltpu.async_copy(y_hbm.at[rowv], rows, sem).wait()

      @pl.when(cid == 1)
      def _():
        pltpu.async_copy(xn_hbm.at[rowv], rows, sem).wait()
        pltpu.sync_copy(a2_hbm.at[pl.ds(base, CH)], a2v)

        def scale(e, c2):
          s = a2v[e, :]
          for f in range(D // L):
            rows[e, pl.ds(f * L, L)] = rows[e, pl.ds(f * L, L)] * s
          return c2

        lax.fori_loop(0, CH, scale, 0)

      pltpu.sync_copy(rows, acc_sh.at[colv], add=True)
      return carry

    lax.fori_loop(0, n_chunks, chunk, 0)
    plsc.subcore_barrier()
    pltpu.sync_copy(acc_sh.at[pl.ds(sid * T, T)],
                    out_hbm.at[cid, pl.ds(sid * T, T)])

  return pl.kernel(
      body,
      out_type=jax.ShapeDtypeStruct((NC, Np, D), jnp.float32),
      mesh=_sc_mesh(),
      scratch_types=[
          pltpu.VMEM((CH,), jnp.int32),
          pltpu.VMEM((CH,), jnp.int32),
          pltpu.VMEM((CH, L), jnp.float32),
          pltpu.VMEM((CH, D), jnp.float32),
          pltpu.VMEM_SHARED((Np, D), jnp.float32),
          pltpu.SemaphoreType.DMA,
      ],
  )


def _prep_body(fl_ref, x_ref, d2_ref, wnx_ref, wnd_ref, degp_ref,
               xn_ref, y_ref):
  x = x_ref[...]
  xn = lax.dot_general(x, wnx_ref[...], (((1,), (1,)), ((), ())),
                       preferred_element_type=jnp.float32)
  xn += lax.dot_general(d2_ref[...], wnd_ref[...], (((1,), (1,)), ((), ())),
                        preferred_element_type=jnp.float32)
  xn = jnp.where(fl_ref[0, 0] != 0, xn, x)
  deg = jnp.sum(degp_ref[0], axis=1, keepdims=True) + 1.0
  dis = lax.rsqrt(deg)
  xn_ref[...] = xn
  y_ref[...] = xn * dis


def _make_prep_kernel(N, D, PE, BM):
  grid = (N // BM,)
  return pl.pallas_call(
      _prep_body,
      grid=grid,
      in_specs=[
          pl.BlockSpec(memory_space=pltpu.SMEM),
          pl.BlockSpec((BM, D), lambda i: (i, 0)),
          pl.BlockSpec((BM, PE), lambda i: (i, 0)),
          pl.BlockSpec((D, D), lambda i: (0, 0)),
          pl.BlockSpec((D, PE), lambda i: (0, 0)),
          pl.BlockSpec((1, BM, NC), lambda i: (i, 0, 0)),
      ],
      out_specs=[
          pl.BlockSpec((BM, D), lambda i: (i, 0)),
          pl.BlockSpec((BM, D), lambda i: (i, 0)),
      ],
      out_shape=[
          jax.ShapeDtypeStruct((N, D), jnp.float32),
          jax.ShapeDtypeStruct((N, D), jnp.float32),
      ],
  )


def _a2_body(attr_ref, a2_ref):
  a = attr_ref[...]
  a2_ref[...] = jnp.where(a > 0.0, jnp.minimum(lax.rsqrt(a), 1.0), 0.0)


def _make_a2_kernel(rows, cols):
  return pl.pallas_call(
      _a2_body,
      out_shape=jax.ShapeDtypeStruct((rows, cols), jnp.float32),
  )


def _final_body(accA_ref, accB_ref, xn_ref, degp_ref, w1_ref, w2_ref,
                out_ref):
  deg = jnp.sum(degp_ref[0], axis=1, keepdims=True) + 1.0
  dis = lax.rsqrt(deg)
  xn = xn_ref[...]
  t1 = accA_ref[...] * dis + xn * (1.0 / deg)
  t2 = accB_ref[...] + xn
  out = lax.dot_general(t1, w1_ref[...], (((1,), (1,)), ((), ())),
                        preferred_element_type=jnp.float32)
  out += lax.dot_general(t2, w2_ref[...], (((1,), (1,)), ((), ())),
                         preferred_element_type=jnp.float32)
  out_ref[...] = out


def _make_final_kernel(N, D, BM):
  grid = (N // BM,)
  return pl.pallas_call(
      _final_body,
      grid=grid,
      in_specs=[
          pl.BlockSpec((BM, D), lambda i: (i, 0)),
          pl.BlockSpec((BM, D), lambda i: (i, 0)),
          pl.BlockSpec((BM, D), lambda i: (i, 0)),
          pl.BlockSpec((1, BM, NC), lambda i: (i, 0, 0)),
          pl.BlockSpec((D, D), lambda i: (0, 0)),
          pl.BlockSpec((D, D), lambda i: (0, 0)),
      ],
      out_specs=pl.BlockSpec((BM, D), lambda i: (i, 0)),
      out_shape=jax.ShapeDtypeStruct((N, D), jnp.float32),
  )


@jax.jit
def kernel(x, input_edge_attr, d2an, W_node, W1, W2, input_edge_index,
           firstLayer):
  N, D = x.shape
  PE = d2an.shape[1]
  E = input_edge_index.shape[1]
  Np = 10240
  CH = 80
  BM = 1000

  row = input_edge_index[0]
  col = input_edge_index[1]
  fl = jnp.asarray(firstLayer, jnp.int32).reshape(1, 1)

  deg_parts = _make_deg_kernel(E, Np, CH)(col)
  degp = deg_parts.T[:N].reshape(N // BM, BM, NC)

  xn, y = _make_prep_kernel(N, D, PE, BM)(
      fl, x, d2an, W_node[:, :D], W_node[:, D:], degp)
  a2 = _make_a2_kernel(E // 128, 128)(
      input_edge_attr.reshape(E // 128, 128)).reshape(E)
  a2x = jnp.broadcast_to(a2[:, None], (E, L))

  acc = _make_agg_kernel(E, Np, D, CH)(y, xn, row, col, a2x)

  return _make_final_kernel(N, D, BM)(
      acc[0, :N], acc[1, :N], xn, degp, W1, W2)

# --- scband reference (transcript-rebuilt; emitter-appended) ---
"""Pipeline reference for scband-graph-traj-sim-encoder-67362267070833 (READ-ONLY COPY).

The authoritative reference and input builder live on the scoring server;
editing this copy changes nothing except your own understanding.
"""

import jax, jax.numpy as jnp
import numpy as np

N = 10000
E = 320000
D = 128
PE = 98


def setup_inputs(seed: int = 0) -> dict:
    key = jax.random.key(seed)
    ks = jax.random.split(key, 8)
    x = jax.random.normal(ks[0], (N, D), dtype=jnp.float32)
    input_edge_index = jax.random.randint(ks[1], (2, E), 0, N, dtype=jnp.int32)
    input_edge_attr = jax.random.uniform(ks[2], (E,), dtype=jnp.float32)
    d2an = jax.random.normal(ks[3], (N, PE), dtype=jnp.float32)
    W_node = jax.random.normal(ks[4], (D, D + PE), dtype=jnp.float32) * 0.05
    W1 = jax.random.normal(ks[5], (D, D), dtype=jnp.float32) * 0.05
    W2 = jax.random.normal(ks[6], (D, D), dtype=jnp.float32) * 0.05
    return {
        "x": x,
        "input_edge_attr": input_edge_attr,
        "d2an": d2an,
        "W_node": W_node,
        "W1": W1,
        "W2": W2,
        "input_edge_index": input_edge_index,
        "firstLayer": 1,
    }


def reference(x, input_edge_attr, d2an, W_node, W1, W2, input_edge_index, firstLayer):
    n = x.shape[0]
    # add_self_loops with fill_value=1.0
    loop = jnp.arange(n, dtype=input_edge_index.dtype)
    edge_index = jnp.concatenate([input_edge_index, jnp.stack([loop, loop], axis=0)], axis=1)
    edge_attr = jnp.concatenate([input_edge_attr, jnp.ones((n,), dtype=input_edge_attr.dtype)], axis=0)
    combined = jnp.concatenate([x, d2an], axis=1)
    x = jnp.where(firstLayer != 0, combined @ W_node.T, x)  # nodeLin, bias=False
    row = edge_index[0]
    col = edge_index[1]
    # degree over target nodes (col)
    deg = jnp.zeros((n,), dtype=x.dtype).at[col].add(1.0)
    deg_inv_sqrt = jnp.where(deg > 0, deg ** -0.5, 0.0)
    deg_norm = deg_inv_sqrt[row] * deg_inv_sqrt[col]
    # edge norm: attr^-0.5, inf -> 0, clip > 1 -> 1
    edge_inv_sqrt = jnp.where(edge_attr > 0, edge_attr ** -0.5, 0.0)
    edge_norm = jnp.minimum(edge_inv_sqrt, 1.0)
    # message: useSI=True -> deg_norm*lin1(x_j) + edge_norm*lin2(x_j), x_j gathered by source (row)
    x_j = x[row]
    msg = deg_norm[:, None] * (x_j @ W1.T) + edge_norm[:, None] * (x_j @ W2.T)
    # aggr='add' scatter into target nodes (col)
    out = jnp.zeros((n, W1.shape[0]), dtype=x.dtype).at[col].add(msg)
    return out

if __name__ == "__main__":
    import jax
    _d = setup_inputs()
    print(jax.jit(kernel)(*tuple(_d.values())))

</pallas_src>

<mosaic_0001>
#map = affine_map<(d0, d1) -> (0)>
#map1 = affine_map<(d0, d1) -> (0, 0)>
module attributes {stable_mosaic.version = 14 : i64} {
  func.func @body(%arg0: i32, %arg1: i32, %arg2: memref<320000xi32, #tpu.memory_space<hbm>>, %arg3: memref<2x10240xf32, #tpu.memory_space<hbm>>, %arg4: memref<80xi32, #tpu.memory_space<vmem>>, %arg5: memref<80xf32, #tpu.memory_space<vmem>>, %arg6: memref<640xf32, #tpu.memory_space<vmem>>, %arg7: memref<10240xf32, #tpu.memory_space<vmem_shared>>) attributes {dimension_semantics = [#tpu.dimension_semantics<core_parallel>, #tpu.dimension_semantics<subcore_parallel>], iteration_bounds = array<i64: 2, 16>, scalar_prefetch = 0 : i64, scratch_operands = 4 : i64, tpu.core_type = #tpu.core_type<sc_vector_subcore>, window_params = [{transform_indices = #map}, {transform_indices = #map1}]} {
    %mul3A = arith.constant 16 : i32
    %mul3A_0 = arith.muli %arg0, %mul3A : i32
    %add3A = arith.addi %mul3A_0, %arg1 : i32
    %broadcast_in_dim3A = arith.constant 1.000000e+00 : f32
    %broadcast_in_dim3A_1 = vector.broadcast %broadcast_in_dim3A : f32 to vector<16xf32>
    %swap3A = arith.constant 0 : index
    %swap3A_2 = tpu.vector_load %arg5[%swap3A] {strides = array<i32>} : memref<80xf32, #tpu.memory_space<vmem>>, vector<16xf32>,
    %swap3A_3 = vector.shape_cast %swap3A_2 : vector<16xf32> to vector<16xf32>
    %swap3A_4 = vector.shape_cast %broadcast_in_dim3A_1 : vector<16xf32> to vector<16xf32>
    tpu.vector_store %arg5[%swap3A], %swap3A_4 {strides = array<i32>} : memref<80xf32, #tpu.memory_space<vmem>>, vector<16xf32>,
    %broadcast_in_dim3A_5 = arith.constant 1.000000e+00 : f32
    %broadcast_in_dim3A_6 = vector.broadcast %broadcast_in_dim3A_5 : f32 to vector<16xf32>
    %swap3A_7 = arith.constant 16 : index
    %swap3A_8 = tpu.vector_load %arg5[%swap3A_7] {strides = array<i32>} : memref<80xf32, #tpu.memory_space<vmem>>, vector<16xf32>,
    %swap3A_9 = vector.shape_cast %swap3A_8 : vector<16xf32> to vector<16xf32>
    %swap3A_10 = vector.shape_cast %broadcast_in_dim3A_6 : vector<16xf32> to vector<16xf32>
    tpu.vector_store %arg5[%swap3A_7], %swap3A_10 {strides = array<i32>} : memref<80xf32, #tpu.memory_space<vmem>>, vector<16xf32>,
    %broadcast_in_dim3A_11 = arith.constant 1.000000e+00 : f32
    %broadcast_in_dim3A_12 = vector.broadcast %broadcast_in_dim3A_11 : f32 to vector<16xf32>
    %swap3A_13 = arith.constant 32 : index
    %swap3A_14 = tpu.vector_load %arg5[%swap3A_13] {strides = array<i32>} : memref<80xf32, #tpu.memory_space<vmem>>, vector<16xf32>,
    %swap3A_15 = vector.shape_cast %swap3A_14 : vector<16xf32> to vector<16xf32>
    %swap3A_16 = vector.shape_cast %broadcast_in_dim3A_12 : vector<16xf32> to vector<16xf32>
    tpu.vector_store %arg5[%swap3A_13], %swap3A_16 {strides = array<i32>} : memref<80xf32, #tpu.memory_space<vmem>>, vector<16xf32>,
    %broadcast_in_dim3A_17 = arith.constant 1.000000e+00 : f32
    %broadcast_in_dim3A_18 = vector.broadcast %broadcast_in_dim3A_17 : f32 to vector<16xf32>
    %swap3A_19 = arith.constant 48 : index
    %swap3A_20 = tpu.vector_load %arg5[%swap3A_19] {strides = array<i32>} : memref<80xf32, #tpu.memory_space<vmem>>, vector<16xf32>,
    %swap3A_21 = vector.shape_cast %swap3A_20 : vector<16xf32> to vector<16xf32>
    %swap3A_22 = vector.shape_cast %broadcast_in_dim3A_18 : vector<16xf32> to vector<16xf32>
    tpu.vector_store %arg5[%swap3A_19], %swap3A_22 {strides = array<i32>} : memref<80xf32, #tpu.memory_space<vmem>>, vector<16xf32>,
    %broadcast_in_dim3A_23 = arith.constant 1.000000e+00 : f32
    %broadcast_in_dim3A_24 = vector.broadcast %broadcast_in_dim3A_23 : f32 to vector<16xf32>
    %swap3A_25 = arith.constant 64 : index
    %swap3A_26 = tpu.vector_load %arg5[%swap3A_25] {strides = array<i32>} : memref<80xf32, #tpu.memory_space<vmem>>, vector<16xf32>,
    %swap3A_27 = vector.shape_cast %swap3A_26 : vector<16xf32> to vector<16xf32>
    %swap3A_28 = vector.shape_cast %broadcast_in_dim3A_24 : vector<16xf32> to vector<16xf32>
    tpu.vector_store %arg5[%swap3A_25], %swap3A_28 {strides = array<i32>} : memref<80xf32, #tpu.memory_space<vmem>>, vector<16xf32>,
    %broadcast_in_dim3A_29 = arith.constant 0.000000e+00 : f32
    %broadcast_in_dim3A_30 = vector.broadcast %broadcast_in_dim3A_29 : f32 to vector<16xf32>
    %swap3A_31 = arith.constant 0 : index
    %swap3A_32 = tpu.vector_load %arg6[%swap3A_31] {strides = array<i32>} : memref<640xf32, #tpu.memory_space<vmem>>, vector<16xf32>,
    %swap3A_33 = vector.shape_cast %swap3A_32 : vector<16xf32> to vector<16xf32>
    %swap3A_34 = vector.shape_cast %broadcast_in_dim3A_30 : vector<16xf32> to vector<16xf32>
    tpu.vector_store %arg6[%swap3A_31], %swap3A_34 {strides = array<i32>} : memref<640xf32, #tpu.memory_space<vmem>>, vector<16xf32>,
    %broadcast_in_dim3A_35 = arith.constant 0.000000e+00 : f32
    %broadcast_in_dim3A_36 = vector.broadcast %broadcast_in_dim3A_35 : f32 to vector<16xf32>
    %swap3A_37 = arith.constant 16 : index
    %swap3A_38 = tpu.vector_load %arg6[%swap3A_37] {strides = array<i32>} : memref<640xf32, #tpu.memory_space<vmem>>, vector<16xf32>,
    %swap3A_39 = vector.shape_cast %swap3A_38 : vector<16xf32> to vector<16xf32>
    %swap3A_40 = vector.shape_cast %broadcast_in_dim3A_36 : vector<16xf32> to vector<16xf32>
    tpu.vector_store %arg6[%swap3A_37], %swap3A_40 {strides = array<i32>} : memref<640xf32, #tpu.memory_space<vmem>>, vector<16xf32>,
    %broadcast_in_dim3A_41 = arith.constant 0.000000e+00 : f32
    %broadcast_in_dim3A_42 = vector.broadcast %broadcast_in_dim3A_41 : f32 to vector<16xf32>
    %swap3A_43 = arith.constant 32 : index
    %swap3A_44 = tpu.vector_load %arg6[%swap3A_43] {strides = array<i32>} : memref<640xf32, #tpu.memory_space<vmem>>, vector<16xf32>,
    %swap3A_45 = vector.shape_cast %swap3A_44 : vector<16xf32> to vector<16xf32>
    %swap3A_46 = vector.shape_cast %broadcast_in_dim3A_42 : vector<16xf32> to vector<16xf32>
    tpu.vector_store %arg6[%swap3A_43], %swap3A_46 {strides = array<i32>} : memref<640xf32, #tpu.memory_space<vmem>>, vector<16xf32>,
    %broadcast_in_dim3A_47 = arith.constant 0.000000e+00 : f32
    %broadcast_in_dim3A_48 = vector.broadcast %broadcast_in_dim3A_47 : f32 to vector<16xf32>
    %swap3A_49 = arith.constant 48 : index
    %swap3A_50 = tpu.vector_load %arg6[%swap3A_49] {strides = array<i32>} : memref<640xf32, #tpu.memory_space<vmem>>, vector<16xf32>,
    %swap3A_51 = vector.shape_cast %swap3A_50 : vector<16xf32> to vector<16xf32>
    %swap3A_52 = vector.shape_cast %broadcast_in_dim3A_48 : vector<16xf32> to vector<16xf32>
    tpu.vector_store %arg6[%swap3A_49], %swap3A_52 {strides = array<i32>} : memref<640xf32, #tpu.memory_space<vmem>>, vector<16xf32>,
    %broadcast_in_dim3A_53 = arith.constant 0.000000e+00 : f32
    %broadcast_in_dim3A_54 = vector.broadcast %broadcast_in_dim3A_53 : f32 to vector<16xf32>
    %swap3A_55 = arith.constant 64 : index
    %swap3A_56 = tpu.vector_load %arg6[%swap3A_55] {strides = array<i32>} : memref<640xf32, #tpu.memory_space<vmem>>, vector<16xf32>,
    %swap3A_57 = vector.shape_cast %swap3A_56 : vector<16xf32> to vector<16xf32>
    %swap3A_58 = vector.shape_cast %broadcast_in_dim3A_54 : vector<16xf32> to vector<16xf32>
    tpu.vector_store %arg6[%swap3A_55], %swap3A_58 {strides = array<i32>} : memref<640xf32, #tpu.memory_space<vmem>>, vector<16xf32>,
    %broadcast_in_dim3A_59 = arith.constant 0.000000e+00 : f32
    %broadcast_in_dim3A_60 = vector.broadcast %broadcast_in_dim3A_59 : f32 to vector<16xf32>
    %swap3A_61 = arith.constant 80 : index
    %swap3A_62 = tpu.vector_load %arg6[%swap3A_61] {strides = array<i32>} : memref<640xf32, #tpu.memory_space<vmem>>, vector<16xf32>,
    %swap3A_63 = vector.shape_cast %swap3A_62 : vector<16xf32> to vector<16xf32>
    %swap3A_64 = vector.shape_cast %broadcast_in_dim3A_60 : vector<16xf32> to vector<16xf32>
    tpu.vector_store %arg6[%swap3A_61], %swap3A_64 {strides = array<i32>} : memref<640xf32, #tpu.memory_space<vmem>>, vector<16xf32>,
    %broadcast_in_dim3A_65 = arith.constant 0.000000e+00 : f32
    %broadcast_in_dim3A_66 = vector.broadcast %broadcast_in_dim3A_65 : f32 to vector<16xf32>
    %swap3A_67 = arith.constant 96 : index
    %swap3A_68 = tpu.vector_load %arg6[%swap3A_67] {strides = array<i32>} : memref<640xf32, #tpu.memory_space<vmem>>, vector<16xf32>,
    %swap3A_69 = vector.shape_cast %swap3A_68 : vector<16xf32> to vector<16xf32>
    %swap3A_70 = vector.shape_cast %broadcast_in_dim3A_66 : vector<16xf32> to vector<16xf32>
    tpu.vector_store %arg6[%swap3A_67], %swap3A_70 {strides = array<i32>} : memref<640xf32, #tpu.memory_space<vmem>>, vector<16xf32>,
    %broadcast_in_dim3A_71 = arith.constant 0.000000e+00 : f32
    %broadcast_in_dim3A_72 = vector.broadcast %broadcast_in_dim3A_71 : f32 to vector<16xf32>
    %swap3A_73 = arith.constant 112 : index
    %swap3A_74 = tpu.vector_load %arg6[%swap3A_73] {strides = array<i32>} : memref<640xf32, #tpu.memory_space<vmem>>, vector<16xf32>,
    %swap3A_75 = vector.shape_cast %swap3A_74 : vector<16xf32> to vector<16xf32>
    %swap3A_76 = vector.shape_cast %broadcast_in_dim3A_72 : vector<16xf32> to vector<16xf32>
    tpu.vector_store %arg6[%swap3A_73], %swap3A_76 {strides = array<i32>} : memref<640xf32, #tpu.memory_space<vmem>>, vector<16xf32>,
    %broadcast_in_dim3A_77 = arith.constant 0.000000e+00 : f32
    %broadcast_in_dim3A_78 = vector.broadcast %broadcast_in_dim3A_77 : f32 to vector<16xf32>
    %swap3A_79 = arith.constant 128 : index
    %swap3A_80 = tpu.vector_load %arg6[%swap3A_79] {strides = array<i32>} : memref<640xf32, #tpu.memory_space<vmem>>, vector<16xf32>,
    %swap3A_81 = vector.shape_cast %swap3A_80 : vector<16xf32> to vector<16xf32>
    %swap3A_82 = vector.shape_cast %broadcast_in_dim3A_78 : vector<16xf32> to vector<16xf32>
    tpu.vector_store %arg6[%swap3A_79], %swap3A_82 {strides = array<i32>} : memref<640xf32, #tpu.memory_space<vmem>>, vector<16xf32>,
    %broadcast_in_dim3A_83 = arith.constant 0.000000e+00 : f32
    %broadcast_in_dim3A_84 = vector.broadcast %broadcast_in_dim3A_83 : f32 to vector<16xf32>
    %swap3A_85 = arith.constant 144 : index
    %swap3A_86 = tpu.vector_load %arg6[%swap3A_85] {strides = array<i32>} : memref<640xf32, #tpu.memory_space<vmem>>, vector<16xf32>,
    %swap3A_87 = vector.shape_cast %swap3A_86 : vector<16xf32> to vector<16xf32>
    %swap3A_88 = vector.shape_cast %broadcast_in_dim3A_84 : vector<16xf32> to vector<16xf32>
    tpu.vector_store %arg6[%swap3A_85], %swap3A_88 {strides = array<i32>} : memref<640xf32, #tpu.memory_space<vmem>>, vector<16xf32>,
    %broadcast_in_dim3A_89 = arith.constant 0.000000e+00 : f32
    %broadcast_in_dim3A_90 = vector.broadcast %broadcast_in_dim3A_89 : f32 to vector<16xf32>
    %swap3A_91 = arith.constant 160 : index
    %swap3A_92 = tpu.vector_load %arg6[%swap3A_91] {strides = array<i32>} : memref<640xf32, #tpu.memory_space<vmem>>, vector<16xf32>,
    %swap3A_93 = vector.shape_cast %swap3A_92 : vector<16xf32> to vector<16xf32>
    %swap3A_94 = vector.shape_cast %broadcast_in_dim3A_90 : vector<16xf32> to vector<16xf32>
    tpu.vector_store %arg6[%swap3A_91], %swap3A_94 {strides = array<i32>} : memref<640xf32, #tpu.memory_space<vmem>>, vector<16xf32>,
    %broadcast_in_dim3A_95 = arith.constant 0.000000e+00 : f32
    %broadcast_in_dim3A_96 = vector.broadcast %broadcast_in_dim3A_95 : f32 to vector<16xf32>
    %swap3A_97 = arith.constant 176 : index
    %swap3A_98 = tpu.vector_load %arg6[%swap3A_97] {strides = array<i32>} : memref<640xf32, #tpu.memory_space<vmem>>, vector<16xf32>,
    %swap3A_99 = vector.shape_cast %swap3A_98 : vector<16xf32> to vector<16xf32>
    %swap3A_100 = vector.shape_cast %broadcast_in_dim3A_96 : vector<16xf32> to vector<16xf32>
    tpu.vector_store %arg6[%swap3A_97], %swap3A_100 {strides = array<i32>} : memref<640xf32, #tpu.memory_space<vmem>>, vector<16xf32>,
    %broadcast_in_dim3A_101 = arith.constant 0.000000e+00 : f32
    %broadcast_in_dim3A_102 = vector.broadcast %broadcast_in_dim3A_101 : f32 to vector<16xf32>
    %swap3A_103 = arith.constant 192 : index
    %swap3A_104 = tpu.vector_load %arg6[%swap3A_103] {strides = array<i32>} : memref<640xf32, #tpu.memory_space<vmem>>, vector<16xf32>,
    %swap3A_105 = vector.shape_cast %swap3A_104 : vector<16xf32> to vector<16xf32>
    %swap3A_106 = vector.shape_cast %broadcast_in_dim3A_102 : vector<16xf32> to vector<16xf32>
    tpu.vector_store %arg6[%swap3A_103], %swap3A_106 {strides = array<i32>} : memref<640xf32, #tpu.memory_space<vmem>>, vector<16xf32>,
    %broadcast_in_dim3A_107 = arith.constant 0.000000e+00 : f32
    %broadcast_in_dim3A_108 = vector.broadcast %broadcast_in_dim3A_107 : f32 to vector<16xf32>
    %swap3A_109 = arith.constant 208 : index
    %swap3A_110 = tpu.vector_load %arg6[%swap3A_109] {strides = array<i32>} : memref<640xf32, #tpu.memory_space<vmem>>, vector<16xf32>,
    %swap3A_111 = vector.shape_cast %swap3A_110 : vector<16xf32> to vector<16xf32>
    %swap3A_112 = vector.shape_cast %broadcast_in_dim3A_108 : vector<16xf32> to vector<16xf32>
    tpu.vector_store %arg6[%swap3A_109], %swap3A_112 {strides = array<i32>} : memref<640xf32, #tpu.memory_space<vmem>>, vector<16xf32>,
    %broadcast_in_dim3A_113 = arith.constant 0.000000e+00 : f32
    %broadcast_in_dim3A_114 = vector.broadcast %broadcast_in_dim3A_113 : f32 to vector<16xf32>
    %swap3A_115 = arith.constant 224 : index
    %swap3A_116 = tpu.vector_load %arg6[%swap3A_115] {strides = array<i32>} : memref<640xf32, #tpu.memory_space<vmem>>, vector<16xf32>,
    %swap3A_117 = vector.shape_cast %swap3A_116 : vector<16xf32> to vector<16xf32>
    %swap3A_118 = vector.shape_cast %broadcast_in_dim3A_114 : vector<16xf32> to vector<16xf32>
    tpu.vector_store %arg6[%swap3A_115], %swap3A_118 {strides = array<i32>} : memref<640xf32, #tpu.memory_space<vmem>>, vector<16xf32>,
    %broadcast_in_dim3A_119 = arith.constant 0.000000e+00 : f32
    %broadcast_in_dim3A_120 = vector.broadcast %broadcast_in_dim3A_119 : f32 to vector<16xf32>
    %swap3A_121 = arith.constant 240 : index
    %swap3A_122 = tpu.vector_load %arg6[%swap3A_121] {strides = array<i32>} : memref<640xf32, #tpu.memory_space<vmem>>, vector<16xf32>,
    %swap3A_123 = vector.shape_cast %swap3A_122 : vector<16xf32> to vector<16xf32>
    %swap3A_124 = vector.shape_cast %broadcast_in_dim3A_120 : vector<16xf32> to vector<16xf32>
    tpu.vector_store %arg6[%swap3A_121], %swap3A_124 {strides = array<i32>} : memref<640xf32, #tpu.memory_space<vmem>>, vector<16xf32>,
    %broadcast_in_dim3A_125 = arith.constant 0.000000e+00 : f32
    %broadcast_in_dim3A_126 = vector.broadcast %broadcast_in_dim3A_125 : f32 to vector<16xf32>
    %swap3A_127 = arith.constant 256 : index
    %swap3A_128 = tpu.vector_load %arg6[%swap3A_127] {strides = array<i32>} : memref<640xf32, #tpu.memory_space<vmem>>, vector<16xf32>,
    %swap3A_129 = vector.shape_cast %swap3A_128 : vector<16xf32> to vector<16xf32>
    %swap3A_130 = vector.shape_cast %broadcast_in_dim3A_126 : vector<16xf32> to vector<16xf32>
    tpu.vector_store %arg6[%swap3A_127], %swap3A_130 {strides = array<i32>} : memref<640xf32, #tpu.memory_space<vmem>>, vector<16xf32>,
    %broadcast_in_dim3A_131 = arith.constant 0.000000e+00 : f32
    %broadcast_in_dim3A_132 = vector.broadcast %broadcast_in_dim3A_131 : f32 to vector<16xf32>
    %swap3A_133 = arith.constant 272 : index
    %swap3A_134 = tpu.vector_load %arg6[%swap3A_133] {strides = array<i32>} : memref<640xf32, #tpu.memory_space<vmem>>, vector<16xf32>,
    %swap3A_135 = vector.shape_cast %swap3A_134 : vector<16xf32> to vector<16xf32>
    %swap3A_136 = vector.shape_cast %broadcast_in_dim3A_132 : vector<16xf32> to vector<16xf32>
    tpu.vector_store %arg6[%swap3A_133], %swap3A_136 {strides = array<i32>} : memref<640xf32, #tpu.memory_space<vmem>>, vector<16xf32>,
    %broadcast_in_dim3A_137 = arith.constant 0.000000e+00 : f32
    %broadcast_in_dim3A_138 = vector.broadcast %broadcast_in_dim3A_137 : f32 to vector<16xf32>
    %swap3A_139 = arith.constant 288 : index
    %swap3A_140 = tpu.vector_load %arg6[%swap3A_139] {strides = array<i32>} : memref<640xf32, #tpu.memory_space<vmem>>, vector<16xf32>,
    %swap3A_141 = vector.shape_cast %swap3A_140 : vector<16xf32> to vector<16xf32>
    %swap3A_142 = vector.shape_cast %broadcast_in_dim3A_138 : vector<16xf32> to vector<16xf32>
    tpu.vector_store %arg6[%swap3A_139], %swap3A_142 {strides = array<i32>} : memref<640xf32, #tpu.memory_space<vmem>>, vector<16xf32>,
    %broadcast_in_dim3A_143 = arith.constant 0.000000e+00 : f32
    %broadcast_in_dim3A_144 = vector.broadcast %broadcast_in_dim3A_143 : f32 to vector<16xf32>
    %swap3A_145 = arith.constant 304 : index
    %swap3A_146 = tpu.vector_load %arg6[%swap3A_145] {strides = array<i32>} : memref<640xf32, #tpu.memory_space<vmem>>, vector<16xf32>,
    %swap3A_147 = vector.shape_cast %swap3A_146 : vector<16xf32> to vector<16xf32>
    %swap3A_148 = vector.shape_cast %broadcast_in_dim3A_144 : vector<16xf32> to vector<16xf32>
    tpu.vector_store %arg6[%swap3A_145], %swap3A_148 {strides = array<i32>} : memref<640xf32, #tpu.memory_space<vmem>>, vector<16xf32>,
    %broadcast_in_dim3A_149 = arith.constant 0.000000e+00 : f32
    %broadcast_in_dim3A_150 = vector.broadcast %broadcast_in_dim3A_149 : f32 to vector<16xf32>
    %swap3A_151 = arith.constant 320 : index
    %swap3A_152 = tpu.vector_load %arg6[%swap3A_151] {strides = array<i32>} : memref<640xf32, #tpu.memory_space<vmem>>, vector<16xf32>,
    %swap3A_153 = vector.shape_cast %swap3A_152 : vector<16xf32> to vector<16xf32>
    %swap3A_154 = vector.shape_cast %broadcast_in_dim3A_150 : vector<16xf32> to vector<16xf32>
    tpu.vector_store %arg6[%swap3A_151], %swap3A_154 {strides = array<i32>} : memref<640xf32, #tpu.memory_space<vmem>>, vector<16xf32>,
    %broadcast_in_dim3A_155 = arith.constant 0.000000e+00 : f32
    %broadcast_in_dim3A_156 = vector.broadcast %broadcast_in_dim3A_155 : f32 to vector<16xf32>
    %swap3A_157 = arith.constant 336 : index
    %swap3A_158 = tpu.vector_load %arg6[%swap3A_157] {strides = array<i32>} : memref<640xf32, #tpu.memory_space<vmem>>, vector<16xf32>,
    %swap3A_159 = vector.shape_cast %swap3A_158 : vector<16xf32> to vector<16xf32>
    %swap3A_160 = vector.shape_cast %broadcast_in_dim3A_156 : vector<16xf32> to vector<16xf32>
    tpu.vector_store %arg6[%swap3A_157], %swap3A_160 {strides = array<i32>} : memref<640xf32, #tpu.memory_space<vmem>>, vector<16xf32>,
    %broadcast_in_dim3A_161 = arith.constant 0.000000e+00 : f32
    %broadcast_in_dim3A_162 = vector.broadcast %broadcast_in_dim3A_161 : f32 to vector<16xf32>
    %swap3A_163 = arith.constant 352 : index
    %swap3A_164 = tpu.vector_load %arg6[%swap3A_163] {strides = array<i32>} : memref<640xf32, #tpu.memory_space<vmem>>, vector<16xf32>,
    %swap3A_165 = vector.shape_cast %swap3A_164 : vector<16xf32> to vector<16xf32>
    %swap3A_166 = vector.shape_cast %broadcast_in_dim3A_162 : vector<16xf32> to vector<16xf32>
    tpu.vector_store %arg6[%swap3A_163], %swap3A_166 {strides = array<i32>} : memref<640xf32, #tpu.memory_space<vmem>>, vector<16xf32>,
    %broadcast_in_dim3A_167 = arith.constant 0.000000e+00 : f32
    %broadcast_in_dim3A_168 = vector.broadcast %broadcast_in_dim3A_167 : f32 to vector<16xf32>
    %swap3A_169 = arith.constant 368 : index
    %swap3A_170 = tpu.vector_load %arg6[%swap3A_169] {strides = array<i32>} : memref<640xf32, #tpu.memory_space<vmem>>, vector<16xf32>,
    %swap3A_171 = vector.shape_cast %swap3A_170 : vector<16xf32> to vector<16xf32>
    %swap3A_172 = vector.shape_cast %broadcast_in_dim3A_168 : vector<16xf32> to vector<16xf32>
    tpu.vector_store %arg6[%swap3A_169], %swap3A_172 {strides = array<i32>} : memref<640xf32, #tpu.memory_space<vmem>>, vector<16xf32>,
    %broadcast_in_dim3A_173 = arith.constant 0.000000e+00 : f32
    %broadcast_in_dim3A_174 = vector.broadcast %broadcast_in_dim3A_173 : f32 to vector<16xf32>
    %swap3A_175 = arith.constant 384 : index
    %swap3A_176 = tpu.vector_load %arg6[%swap3A_175] {strides = array<i32>} : memref<640xf32, #tpu.memory_space<vmem>>, vector<16xf32>,
    %swap3A_177 = vector.shape_cast %swap3A_176 : vector<16xf32> to vector<16xf32>
    %swap3A_178 = vector.shape_cast %broadcast_in_dim3A_174 : vector<16xf32> to vector<16xf32>
    tpu.vector_store %arg6[%swap3A_175], %swap3A_178 {strides = array<i32>} : memref<640xf32, #tpu.memory_space<vmem>>, vector<16xf32>,
    %broadcast_in_dim3A_179 = arith.constant 0.000000e+00 : f32
    %broadcast_in_dim3A_180 = vector.broadcast %broadcast_in_dim3A_179 : f32 to vector<16xf32>
    %swap3A_181 = arith.constant 400 : index
    %swap3A_182 = tpu.vector_load %arg6[%swap3A_181] {strides = array<i32>} : memref<640xf32, #tpu.memory_space<vmem>>, vector<16xf32>,
    %swap3A_183 = vector.shape_cast %swap3A_182 : vector<16xf32> to vector<16xf32>
    %swap3A_184 = vector.shape_cast %broadcast_in_dim3A_180 : vector<16xf32> to vector<16xf32>
    tpu.vector_store %arg6[%swap3A_181], %swap3A_184 {strides = array<i32>} : memref<640xf32, #tpu.memory_space<vmem>>, vector<16xf32>,
    %broadcast_in_dim3A_185 = arith.constant 0.000000e+00 : f32
    %broadcast_in_dim3A_186 = vector.broadcast %broadcast_in_dim3A_185 : f32 to vector<16xf32>
    %swap3A_187 = arith.constant 416 : index
    %swap3A_188 = tpu.vector_load %arg6[%swap3A_187] {strides = array<i32>} : memref<640xf32, #tpu.memory_space<vmem>>, vector<16xf32>,
    %swap3A_189 = vector.shape_cast %swap3A_188 : vector<16xf32> to vector<16xf32>
    %swap3A_190 = vector.shape_cast %broadcast_in_dim3A_186 : vector<16xf32> to vector<16xf32>
    tpu.vector_store %arg6[%swap3A_187], %swap3A_190 {strides = array<i32>} : memref<640xf32, #tpu.memory_space<vmem>>, vector<16xf32>,
    %broadcast_in_dim3A_191 = arith.constant 0.000000e+00 : f32
    %broadcast_in_dim3A_192 = vector.broadcast %broadcast_in_dim3A_191 : f32 to vector<16xf32>
    %swap3A_193 = arith.constant 432 : index
    %swap3A_194 = tpu.vector_load %arg6[%swap3A_193] {strides = array<i32>} : memref<640xf32, #tpu.memory_space<vmem>>, vector<16xf32>,
    %swap3A_195 = vector.shape_cast %swap3A_194 : vector<16xf32> to vector<16xf32>
    %swap3A_196 = vector.shape_cast %broadcast_in_dim3A_192 : vector<16xf32> to vector<16xf32>
    tpu.vector_store %arg6[%swap3A_193], %swap3A_196 {strides = array<i32>} : memref<640xf32, #tpu.memory_space<vmem>>, vector<16xf32>,
    %broadcast_in_dim3A_197 = arith.constant 0.000000e+00 : f32
    %broadcast_in_dim3A_198 = vector.broadcast %broadcast_in_dim3A_197 : f32 to vector<16xf32>
    %swap3A_199 = arith.constant 448 : index
    %swap3A_200 = tpu.vector_load %arg6[%swap3A_199] {strides = array<i32>} : memref<640xf32, #tpu.memory_space<vmem>>, vector<16xf32>,
    %swap3A_201 = vector.shape_cast %swap3A_200 : vector<16xf32> to vector<16xf32>
    %swap3A_202 = vector.shape_cast %broadcast_in_dim3A_198 : vector<16xf32> to vector<16xf32>
    tpu.vector_store %arg6[%swap3A_199], %swap3A_202 {strides = array<i32>} : memref<640xf32, #tpu.memory_space<vmem>>, vector<16xf32>,
    %broadcast_in_dim3A_203 = arith.constant 0.000000e+00 : f32
    %broadcast_in_dim3A_204 = vector.broadcast %broadcast_in_dim3A_203 : f32 to vector<16xf32>
    %swap3A_205 = arith.constant 464 : index
    %swap3A_206 = tpu.vector_load %arg6[%swap3A_205] {strides = array<i32>} : memref<640xf32, #tpu.memory_space<vmem>>, vector<16xf32>,
    %swap3A_207 = vector.shape_cast %swap3A_206 : vector<16xf32> to vector<16xf32>
    %swap3A_208 = vector.shape_cast %broadcast_in_dim3A_204 : vector<16xf32> to vector<16xf32>
    tpu.vector_store %arg6[%swap3A_205], %swap3A_208 {strides = array<i32>} : memref<640xf32, #tpu.memory_space<vmem>>, vector<16xf32>,
    %broadcast_in_dim3A_209 = arith.constant 0.000000e+00 : f32
    %broadcast_in_dim3A_210 = vector.broadcast %broadcast_in_dim3A_209 : f32 to vector<16xf32>
    %swap3A_211 = arith.constant 480 : index
    %swap3A_212 = tpu.vector_load %arg6[%swap3A_211] {strides = array<i32>} : memref<640xf32, #tpu.memory_space<vmem>>, vector<16xf32>,
    %swap3A_213 = vector.shape_cast %swap3A_212 : vector<16xf32> to vector<16xf32>
    %swap3A_214 = vector.shape_cast %broadcast_in_dim3A_210 : vector<16xf32> to vector<16xf32>
    tpu.vector_store %arg6[%swap3A_211], %swap3A_214 {strides = array<i32>} : memref<640xf32, #tpu.memory_space<vmem>>, vector<16xf32>,
    %broadcast_in_dim3A_215 = arith.constant 0.000000e+00 : f32
    %broadcast_in_dim3A_216 = vector.broadcast %broadcast_in_dim3A_215 : f32 to vector<16xf32>
    %swap3A_217 = arith.constant 496 : index
    %swap3A_218 = tpu.vector_load %arg6[%swap3A_217] {strides = array<i32>} : memref<640xf32, #tpu.memory_space<vmem>>, vector<16xf32>,
    %swap3A_219 = vector.shape_cast %swap3A_218 : vector<16xf32> to vector<16xf32>
    %swap3A_220 = vector.shape_cast %broadcast_in_dim3A_216 : vector<16xf32> to vector<16xf32>
    tpu.vector_store %arg6[%swap3A_217], %swap3A_220 {strides = array<i32>} : memref<640xf32, #tpu.memory_space<vmem>>, vector<16xf32>,
    %broadcast_in_dim3A_221 = arith.constant 0.000000e+00 : f32
    %broadcast_in_dim3A_222 = vector.broadcast %broadcast_in_dim3A_221 : f32 to vector<16xf32>
    %swap3A_223 = arith.constant 512 : index
    %swap3A_224 = tpu.vector_load %arg6[%swap3A_223] {strides = array<i32>} : memref<640xf32, #tpu.memory_space<vmem>>, vector<16xf32>,
    %swap3A_225 = vector.shape_cast %swap3A_224 : vector<16xf32> to vector<16xf32>
    %swap3A_226 = vector.shape_cast %broadcast_in_dim3A_222 : vector<16xf32> to vector<16xf32>
    tpu.vector_store %arg6[%swap3A_223], %swap3A_226 {strides = array<i32>} : memref<640xf32, #tpu.memory_space<vmem>>, vector<16xf32>,
    %broadcast_in_dim3A_227 = arith.constant 0.000000e+00 : f32
    %broadcast_in_dim3A_228 = vector.broadcast %broadcast_in_dim3A_227 : f32 to vector<16xf32>
    %swap3A_229 = arith.constant 528 : index
    %swap3A_230 = tpu.vector_load %arg6[%swap3A_229] {strides = array<i32>} : memref<640xf32, #tpu.memory_space<vmem>>, vector<16xf32>,
    %swap3A_231 = vector.shape_cast %swap3A_230 : vector<16xf32> to vector<16xf32>
    %swap3A_232 = vector.shape_cast %broadcast_in_dim3A_228 : vector<16xf32> to vector<16xf32>
    tpu.vector_store %arg6[%swap3A_229], %swap3A_232 {strides = array<i32>} : memref<640xf32, #tpu.memory_space<vmem>>, vector<16xf32>,
    %broadcast_in_dim3A_233 = arith.constant 0.000000e+00 : f32
    %broadcast_in_dim3A_234 = vector.broadcast %broadcast_in_dim3A_233 : f32 to vector<16xf32>
    %swap3A_235 = arith.constant 544 : index
    %swap3A_236 = tpu.vector_load %arg6[%swap3A_235] {strides = array<i32>} : memref<640xf32, #tpu.memory_space<vmem>>, vector<16xf32>,
    %swap3A_237 = vector.shape_cast %swap3A_236 : vector<16xf32> to vector<16xf32>
    %swap3A_238 = vector.shape_cast %broadcast_in_dim3A_234 : vector<16xf32> to vector<16xf32>
    tpu.vector_store %arg6[%swap3A_235], %swap3A_238 {strides = array<i32>} : memref<640xf32, #tpu.memory_space<vmem>>, vector<16xf32>,
    %broadcast_in_dim3A_239 = arith.constant 0.000000e+00 : f32
    %broadcast_in_dim3A_240 = vector.broadcast %broadcast_in_dim3A_239 : f32 to vector<16xf32>
    %swap3A_241 = arith.constant 560 : index
    %swap3A_242 = tpu.vector_load %arg6[%swap3A_241] {strides = array<i32>} : memref<640xf32, #tpu.memory_space<vmem>>, vector<16xf32>,
    %swap3A_243 = vector.shape_cast %swap3A_242 : vector<16xf32> to vector<16xf32>
    %swap3A_244 = vector.shape_cast %broadcast_in_dim3A_240 : vector<16xf32> to vector<16xf32>
    tpu.vector_store %arg6[%swap3A_241], %swap3A_244 {strides = array<i32>} : memref<640xf32, #tpu.memory_space<vmem>>, vector<16xf32>,
    %broadcast_in_dim3A_245 = arith.constant 0.000000e+00 : f32
    %broadcast_in_dim3A_246 = vector.broadcast %broadcast_in_dim3A_245 : f32 to vector<16xf32>
    %swap3A_247 = arith.constant 576 : index
    %swap3A_248 = tpu.vector_load %arg6[%swap3A_247] {strides = array<i32>} : memref<640xf32, #tpu.memory_space<vmem>>, vector<16xf32>,
    %swap3A_249 = vector.shape_cast %swap3A_248 : vector<16xf32> to vector<16xf32>
    %swap3A_250 = vector.shape_cast %broadcast_in_dim3A_246 : vector<16xf32> to vector<16xf32>
    tpu.vector_store %arg6[%swap3A_247], %swap3A_250 {strides = array<i32>} : memref<640xf32, #tpu.memory_space<vmem>>, vector<16xf32>,
    %broadcast_in_dim3A_251 = arith.constant 0.000000e+00 : f32
    %broadcast_in_dim3A_252 = vector.broadcast %broadcast_in_dim3A_251 : f32 to vector<16xf32>
    %swap3A_253 = arith.constant 592 : index
    %swap3A_254 = tpu.vector_load %arg6[%swap3A_253] {strides = array<i32>} : memref<640xf32, #tpu.memory_space<vmem>>, vector<16xf32>,
    %swap3A_255 = vector.shape_cast %swap3A_254 : vector<16xf32> to vector<16xf32>
    %swap3A_256 = vector.shape_cast %broadcast_in_dim3A_252 : vector<16xf32> to vector<16xf32>
    tpu.vector_store %arg6[%swap3A_253], %swap3A_256 {strides = array<i32>} : memref<640xf32, #tpu.memory_space<vmem>>, vector<16xf32>,
    %broadcast_in_dim3A_257 = arith.constant 0.000000e+00 : f32
    %broadcast_in_dim3A_258 = vector.broadcast %broadcast_in_dim3A_257 : f32 to vector<16xf32>
    %swap3A_259 = arith.constant 608 : index
    %swap3A_260 = tpu.vector_load %arg6[%swap3A_259] {strides = array<i32>} : memref<640xf32, #tpu.memory_space<vmem>>, vector<16xf32>,
    %swap3A_261 = vector.shape_cast %swap3A_260 : vector<16xf32> to vector<16xf32>
    %swap3A_262 = vector.shape_cast %broadcast_in_dim3A_258 : vector<16xf32> to vector<16xf32>
    tpu.vector_store %arg6[%swap3A_259], %swap3A_262 {strides = array<i32>} : memref<640xf32, #tpu.memory_space<vmem>>, vector<16xf32>,
    %broadcast_in_dim3A_263 = arith.constant 0.000000e+00 : f32
    %broadcast_in_dim3A_264 = vector.broadcast %broadcast_in_dim3A_263 : f32 to vector<16xf32>
    %swap3A_265 = arith.constant 624 : index
    %swap3A_266 = tpu.vector_load %arg6[%swap3A_265] {strides = array<i32>} : memref<640xf32, #tpu.memory_space<vmem>>, vector<16xf32>,
    %swap3A_267 = vector.shape_cast %swap3A_266 : vector<16xf32> to vector<16xf32>
    %swap3A_268 = vector.shape_cast %broadcast_in_dim3A_264 : vector<16xf32> to vector<16xf32>
    tpu.vector_store %arg6[%swap3A_265], %swap3A_268 {strides = array<i32>} : memref<640xf32, #tpu.memory_space<vmem>>, vector<16xf32>,
    %mul3A_269 = arith.constant 640 : i32
    %mul3A_270 = arith.muli %arg1, %mul3A_269 : i32
    "tpu.region"() ({
      %run_scoped3A = tpu.sem_alloc : memref<!tpu.dma_semaphore, #tpu.memory_space<semaphore_mem>>
      %dma_start3A = tpu.memref_slice %arg7[%mul3A_270] : memref<10240xf32, #tpu.memory_space<vmem_shared>> -> memref<640xf32, #tpu.memory_space<vmem_shared>>
      %dma_start3A_281 = tpu.memref_slice %arg7[%mul3A_270] : memref<10240xf32, #tpu.memory_space<vmem_shared>> -> memref<640xf32, #tpu.memory_space<vmem_shared>>
      tpu.enqueue_dma source(%arg6 : memref<640xf32, #tpu.memory_space<vmem>>) target(%dma_start3A_281 : memref<640xf32, #tpu.memory_space<vmem_shared>>) target_semaphore(%run_scoped3A : memref<!tpu.dma_semaphore, #tpu.memory_space<semaphore_mem>>)
      %dma_wait3A = tpu.memref_slice %arg7[%mul3A_270] : memref<10240xf32, #tpu.memory_space<vmem_shared>> -> memref<640xf32, #tpu.memory_space<vmem_shared>>
      %dma_wait3A_282 = tpu.memref_slice %arg7[%mul3A_270] : memref<10240xf32, #tpu.memory_space<vmem_shared>> -> memref<640xf32, #tpu.memory_space<vmem_shared>>
      tpu.wait_dma2 semaphore(%run_scoped3A : memref<!tpu.dma_semaphore, #tpu.memory_space<semaphore_mem>>) src(%arg6 : memref<640xf32, #tpu.memory_space<vmem>>) dst(%dma_wait3A_282 : memref<640xf32, #tpu.memory_space<vmem_shared>>)
      tpu.yield
    }) : () -> ()
    %barrier3A = arith.constant 0 : index
    tpu.barrier barrier_id(%barrier3A)
    %scan3A = arith.constant 0 : i32
    %scan3A_271 = arith.constant 0 : i32
    %scan3A_272 = arith.constant 125 : i32
    %scan3A_273 = arith.addi %scan3A_271, %scan3A_272 : i32
    %scan3A_274 = arith.constant 1 : i32
    scf.for %scan3A_281 = %scan3A_271 to %scan3A_273 step %scan3A_274  : i32 {
      %mul3A_282 = arith.constant 10000 : i32
      %mul3A_283 = arith.muli %add3A, %mul3A_282 : i32
      %mul3A_284 = arith.constant 80 : i32
      %mul3A_285 = arith.muli %scan3A_281, %mul3A_284 : i32
      %add3A_286 = arith.addi %mul3A_283, %mul3A_285 : i32
      "tpu.region"() ({
        %run_scoped3A = tpu.sem_alloc : memref<!tpu.dma_semaphore, #tpu.memory_space<semaphore_mem>>
        %dma_start3A = tpu.memref_slice %arg2[%add3A_286] : memref<320000xi32, #tpu.memory_space<hbm>> -> memref<80xi32, #tpu.memory_space<hbm>>
        %dma_start3A_287 = tpu.memref_slice %arg2[%add3A_286] : memref<320000xi32, #tpu.memory_space<hbm>> -> memref<80xi32, #tpu.memory_space<hbm>>
        tpu.enqueue_dma source(%dma_start3A_287 : memref<80xi32, #tpu.memory_space<hbm>>) target(%arg4 : memref<80xi32, #tpu.memory_space<vmem>>) target_semaphore(%run_scoped3A : memref<!tpu.dma_semaphore, #tpu.memory_space<semaphore_mem>>)
        %dma_wait3A = tpu.memref_slice %arg2[%add3A_286] : memref<320000xi32, #tpu.memory_space<hbm>> -> memref<80xi32, #tpu.memory_space<hbm>>
        %dma_wait3A_288 = tpu.memref_slice %arg2[%add3A_286] : memref<320000xi32, #tpu.memory_space<hbm>> -> memref<80xi32, #tpu.memory_space<hbm>>
        tpu.wait_dma2 semaphore(%run_scoped3A : memref<!tpu.dma_semaphore, #tpu.memory_space<semaphore_mem>>) src(%dma_wait3A_288 : memref<80xi32, #tpu.memory_space<hbm>>) dst(%arg4 : memref<80xi32, #tpu.memory_space<vmem>>)
        tpu.yield
      }) : () -> ()
      "tpu.region"() ({
        %run_scoped3A = tpu.sem_alloc : memref<!tpu.dma_semaphore, #tpu.memory_space<semaphore_mem>>
        %dma_start3A = arith.constant 0 : i32
        %dma_start3A_287 = tpu.memref_slice %arg7[%dma_start3A] : memref<10240xf32, #tpu.memory_space<vmem_shared>> -> memref<10240xf32, #tpu.memory_space<vmem_shared>>
        tpu.enqueue_indirect_dma source(%arg5 : memref<80xf32, #tpu.memory_space<vmem>>) target(%dma_start3A_287 : memref<10240xf32, #tpu.memory_space<vmem_shared>>) offsets(%arg4 : memref<80xi32, #tpu.memory_space<vmem>>) semaphore(%run_scoped3A : memref<!tpu.dma_semaphore, #tpu.memory_space<semaphore_mem>>) {add = true}
        %dma_wait3A = arith.constant 0 : i32
        %dma_wait3A_288 = tpu.memref_slice %arg7[%dma_wait3A] : memref<10240xf32, #tpu.memory_space<vmem_shared>> -> memref<10240xf32, #tpu.memory_space<vmem_shared>>
        tpu.wait_indirect_dma semaphore(%run_scoped3A : memref<!tpu.dma_semaphore, #tpu.memory_space<semaphore_mem>>) src(%arg5 : memref<80xf32, #tpu.memory_space<vmem>>) dst(%dma_wait3A_288 : memref<10240xf32, #tpu.memory_space<vmem_shared>>)
        tpu.yield
      }) : () -> ()
    }
    %scan3A_275 = arith.constant 125 : i32
    %barrier3A_276 = arith.constant 0 : index
    tpu.barrier barrier_id(%barrier3A_276)
    %mul3A_277 = arith.constant 640 : i32
    %mul3A_278 = arith.muli %arg1, %mul3A_277 : i32
    %mul3A_279 = arith.constant 640 : i32
    %mul3A_280 = arith.muli %arg1, %mul3A_279 : i32
    "tpu.region"() ({
      %run_scoped3A = tpu.sem_alloc : memref<!tpu.dma_semaphore, #tpu.memory_space<semaphore_mem>>
      %dma_start3A = tpu.memref_slice %arg3[%arg0, %mul3A_280] : memref<2x10240xf32, #tpu.memory_space<hbm>> -> memref<1x640xf32, #tpu.memory_space<hbm>>
      %dma_start3A_281 = tpu.memref_squeeze %dma_start3A : memref<1x640xf32, #tpu.memory_space<hbm>> -> memref<640xf32, #tpu.memory_space<hbm>>
      %dma_start3A_282 = tpu.memref_slice %arg7[%mul3A_278] : memref<10240xf32, #tpu.memory_space<vmem_shared>> -> memref<640xf32, #tpu.memory_space<vmem_shared>>
      tpu.enqueue_dma source(%dma_start3A_282 : memref<640xf32, #tpu.memory_space<vmem_shared>>) target(%dma_start3A_281 : memref<640xf32, #tpu.memory_space<hbm>>) target_semaphore(%run_scoped3A : memref<!tpu.dma_semaphore, #tpu.memory_space<semaphore_mem>>)
      %dma_wait3A = tpu.memref_slice %arg3[%arg0, %mul3A_280] : memref<2x10240xf32, #tpu.memory_space<hbm>> -> memref<1x640xf32, #tpu.memory_space<hbm>>
      %dma_wait3A_283 = tpu.memref_squeeze %dma_wait3A : memref<1x640xf32, #tpu.memory_space<hbm>> -> memref<640xf32, #tpu.memory_space<hbm>>
      %dma_wait3A_284 = tpu.memref_slice %arg7[%mul3A_278] : memref<10240xf32, #tpu.memory_space<vmem_shared>> -> memref<640xf32, #tpu.memory_space<vmem_shared>>
      tpu.wait_dma2 semaphore(%run_scoped3A : memref<!tpu.dma_semaphore, #tpu.memory_space<semaphore_mem>>) src(%dma_wait3A_284 : memref<640xf32, #tpu.memory_space<vmem_shared>>) dst(%dma_wait3A_283 : memref<640xf32, #tpu.memory_space<hbm>>)
      tpu.yield
    }) : () -> ()
    return
  }
}

#map = affine_map<(d0, d1) -> (0, 0)>
#map1 = affine_map<(d0, d1) -> (0)>
#map2 = affine_map<(d0, d1) -> (0, 0, 0)>
module attributes {stable_mosaic.version = 14 : i64} {
  func.func @body(%arg0: i32, %arg1: i32, %arg2: memref<10000x128xf32, #tpu.memory_space<hbm>>, %arg3: memref<10000x128xf32, #tpu.memory_space<hbm>>, %arg4: memref<320000xi32, #tpu.memory_space<hbm>>, %arg5: memref<320000xi32, #tpu.memory_space<hbm>>, %arg6: memref<320000x16xf32, #tpu.memory_space<hbm>>, %arg7: memref<2x10240x128xf32, #tpu.memory_space<hbm>>, %arg8: memref<80xi32, #tpu.memory_space<vmem>>, %arg9: memref<80xi32, #tpu.memory_space<vmem>>, %arg10: memref<80x16xf32, #tpu.memory_space<vmem>>, %arg11: memref<80x128xf32, #tpu.memory_space<vmem>>, %arg12: memref<10240x128xf32, #tpu.memory_space<vmem_shared>>, %arg13: memref<!tpu.dma_semaphore, #tpu.memory_space<semaphore_mem>>) attributes {dimension_semantics = [#tpu.dimension_semantics<core_parallel>, #tpu.dimension_semantics<subcore_parallel>], iteration_bounds = array<i64: 2, 16>, scalar_prefetch = 0 : i64, scratch_operands = 6 : i64, tpu.core_type = #tpu.core_type<sc_vector_subcore>, window_params = [{transform_indices = #map}, {transform_indices = #map}, {transform_indices = #map1}, {transform_indices = #map1}, {transform_indices = #map}, {transform_indices = #map2}]} {
    %scan3A = arith.constant 0 : i32
    %scan3A_0 = arith.constant 0 : i32
    %scan3A_1 = arith.constant 80 : i32
    %scan3A_2 = arith.addi %scan3A_0, %scan3A_1 : i32
    %scan3A_3 = arith.constant 1 : i32
    scf.for %scan3A_46 = %scan3A_0 to %scan3A_2 step %scan3A_3  : i32 {
      %broadcast_in_dim3A = arith.constant 0.000000e+00 : f32
      %broadcast_in_dim3A_47 = vector.broadcast %broadcast_in_dim3A : f32 to vector<16xf32>
      %swap3A = arith.index_cast %scan3A_46 : i32 to index
      %swap3A_48 = arith.constant 0 : index
      %swap3A_49 = tpu.vector_load %arg11[%swap3A, %swap3A_48] {strides = array<i32>} : memref<80x128xf32, #tpu.memory_space<vmem>>, vector<1x16xf32>,
      %swap3A_50 = vector.shape_cast %swap3A_49 : vector<1x16xf32> to vector<16xf32>
      %swap3A_51 = vector.shape_cast %broadcast_in_dim3A_47 : vector<16xf32> to vector<1x16xf32>
      tpu.vector_store %arg11[%swap3A, %swap3A_48], %swap3A_51 {strides = array<i32>} : memref<80x128xf32, #tpu.memory_space<vmem>>, vector<1x16xf32>,
      %broadcast_in_dim3A_52 = arith.constant 0.000000e+00 : f32
      %broadcast_in_dim3A_53 = vector.broadcast %broadcast_in_dim3A_52 : f32 to vector<16xf32>
      %swap3A_54 = arith.index_cast %scan3A_46 : i32 to index
      %swap3A_55 = arith.constant 16 : index
      %swap3A_56 = tpu.vector_load %arg11[%swap3A_54, %swap3A_55] {strides = array<i32>} : memref<80x128xf32, #tpu.memory_space<vmem>>, vector<1x16xf32>,
      %swap3A_57 = vector.shape_cast %swap3A_56 : vector<1x16xf32> to vector<16xf32>
      %swap3A_58 = vector.shape_cast %broadcast_in_dim3A_53 : vector<16xf32> to vector<1x16xf32>
      tpu.vector_store %arg11[%swap3A_54, %swap3A_55], %swap3A_58 {strides = array<i32>} : memref<80x128xf32, #tpu.memory_space<vmem>>, vector<1x16xf32>,
      %broadcast_in_dim3A_59 = arith.constant 0.000000e+00 : f32
      %broadcast_in_dim3A_60 = vector.broadcast %broadcast_in_dim3A_59 : f32 to vector<16xf32>
      %swap3A_61 = arith.index_cast %scan3A_46 : i32 to index
      %swap3A_62 = arith.constant 32 : index
      %swap3A_63 = tpu.vector_load %arg11[%swap3A_61, %swap3A_62] {strides = array<i32>} : memref<80x128xf32, #tpu.memory_space<vmem>>, vector<1x16xf32>,
      %swap3A_64 = vector.shape_cast %swap3A_63 : vector<1x16xf32> to vector<16xf32>
      %swap3A_65 = vector.shape_cast %broadcast_in_dim3A_60 : vector<16xf32> to vector<1x16xf32>
      tpu.vector_store %arg11[%swap3A_61, %swap3A_62], %swap3A_65 {strides = array<i32>} : memref<80x128xf32, #tpu.memory_space<vmem>>, vector<1x16xf32>,
      %broadcast_in_dim3A_66 = arith.constant 0.000000e+00 : f32
      %broadcast_in_dim3A_67 = vector.broadcast %broadcast_in_dim3A_66 : f32 to vector<16xf32>
      %swap3A_68 = arith.index_cast %scan3A_46 : i32 to index
      %swap3A_69 = arith.constant 48 : index
      %swap3A_70 = tpu.vector_load %arg11[%swap3A_68, %swap3A_69] {strides = array<i32>} : memref<80x128xf32, #tpu.memory_space<vmem>>, vector<1x16xf32>,
      %swap3A_71 = vector.shape_cast %swap3A_70 : vector<1x16xf32> to vector<16xf32>
      %swap3A_72 = vector.shape_cast %broadcast_in_dim3A_67 : vector<16xf32> to vector<1x16xf32>
      tpu.vector_store %arg11[%swap3A_68, %swap3A_69], %swap3A_72 {strides = array<i32>} : memref<80x128xf32, #tpu.memory_space<vmem>>, vector<1x16xf32>,
      %broadcast_in_dim3A_73 = arith.constant 0.000000e+00 : f32
      %broadcast_in_dim3A_74 = vector.broadcast %broadcast_in_dim3A_73 : f32 to vector<16xf32>
      %swap3A_75 = arith.index_cast %scan3A_46 : i32 to index
      %swap3A_76 = arith.constant 64 : index
      %swap3A_77 = tpu.vector_load %arg11[%swap3A_75, %swap3A_76] {strides = array<i32>} : memref<80x128xf32, #tpu.memory_space<vmem>>, vector<1x16xf32>,
      %swap3A_78 = vector.shape_cast %swap3A_77 : vector<1x16xf32> to vector<16xf32>
      %swap3A_79 = vector.shape_cast %broadcast_in_dim3A_74 : vector<16xf32> to vector<1x16xf32>
      tpu.vector_store %arg11[%swap3A_75, %swap3A_76], %swap3A_79 {strides = array<i32>} : memref<80x128xf32, #tpu.memory_space<vmem>>, vector<1x16xf32>,
      %broadcast_in_dim3A_80 = arith.constant 0.000000e+00 : f32
      %broadcast_in_dim3A_81 = vector.broadcast %broadcast_in_dim3A_80 : f32 to vector<16xf32>
      %swap3A_82 = arith.index_cast %scan3A_46 : i32 to index
      %swap3A_83 = arith.constant 80 : index
      %swap3A_84 = tpu.vector_load %arg11[%swap3A_82, %swap3A_83] {strides = array<i32>} : memref<80x128xf32, #tpu.memory_space<vmem>>, vector<1x16xf32>,
      %swap3A_85 = vector.shape_cast %swap3A_84 : vector<1x16xf32> to vector<16xf32>
      %swap3A_86 = vector.shape_cast %broadcast_in_dim3A_81 : vector<16xf32> to vector<1x16xf32>
      tpu.vector_store %arg11[%swap3A_82, %swap3A_83], %swap3A_86 {strides = array<i32>} : memref<80x128xf32, #tpu.memory_space<vmem>>, vector<1x16xf32>,
      %broadcast_in_dim3A_87 = arith.constant 0.000000e+00 : f32
      %broadcast_in_dim3A_88 = vector.broadcast %broadcast_in_dim3A_87 : f32 to vector<16xf32>
      %swap3A_89 = arith.index_cast %scan3A_46 : i32 to index
      %swap3A_90 = arith.constant 96 : index
      %swap3A_91 = tpu.vector_load %arg11[%swap3A_89, %swap3A_90] {strides = array<i32>} : memref<80x128xf32, #tpu.memory_space<vmem>>, vector<1x16xf32>,
      %swap3A_92 = vector.shape_cast %swap3A_91 : vector<1x16xf32> to vector<16xf32>
      %swap3A_93 = vector.shape_cast %broadcast_in_dim3A_88 : vector<16xf32> to vector<1x16xf32>
      tpu.vector_store %arg11[%swap3A_89, %swap3A_90], %swap3A_93 {strides = array<i32>} : memref<80x128xf32, #tpu.memory_space<vmem>>, vector<1x16xf32>,
      %broadcast_in_dim3A_94 = arith.constant 0.000000e+00 : f32
      %broadcast_in_dim3A_95 = vector.broadcast %broadcast_in_dim3A_94 : f32 to vector<16xf32>
      %swap3A_96 = arith.index_cast %scan3A_46 : i32 to index
      %swap3A_97 = arith.constant 112 : index
      %swap3A_98 = tpu.vector_load %arg11[%swap3A_96, %swap3A_97] {strides = array<i32>} : memref<80x128xf32, #tpu.memory_space<vmem>>, vector<1x16xf32>,
      %swap3A_99 = vector.shape_cast %swap3A_98 : vector<1x16xf32> to vector<16xf32>
      %swap3A_100 = vector.shape_cast %broadcast_in_dim3A_95 : vector<16xf32> to vector<1x16xf32>
      tpu.vector_store %arg11[%swap3A_96, %swap3A_97], %swap3A_100 {strides = array<i32>} : memref<80x128xf32, #tpu.memory_space<vmem>>, vector<1x16xf32>,
    }
    %scan3A_4 = arith.constant 80 : i32
    %mul3A = arith.constant 640 : i32
    %mul3A_5 = arith.muli %arg1, %mul3A : i32
    %add3A = arith.constant 0 : i32
    %add3A_6 = arith.addi %mul3A_5, %add3A : i32
    "tpu.region"() ({
      %run_scoped3A = tpu.sem_alloc : memref<!tpu.dma_semaphore, #tpu.memory_space<semaphore_mem>>
      %dma_start3A = arith.constant 0 : i32
      %dma_start3A_46 = tpu.memref_slice %arg12[%add3A_6, %dma_start3A] : memref<10240x128xf32, #tpu.memory_space<vmem_shared>> -> memref<80x128xf32, #tpu.memory_space<vmem_shared>>
      %dma_start3A_47 = arith.constant 0 : i32
      %dma_start3A_48 = tpu.memref_slice %arg12[%add3A_6, %dma_start3A_47] : memref<10240x128xf32, #tpu.memory_space<vmem_shared>> -> memref<80x128xf32, #tpu.memory_space<vmem_shared>>
      tpu.enqueue_dma source(%arg11 : memref<80x128xf32, #tpu.memory_space<vmem>>) target(%dma_start3A_48 : memref<80x128xf32, #tpu.memory_space<vmem_shared>>) target_semaphore(%run_scoped3A : memref<!tpu.dma_semaphore, #tpu.memory_space<semaphore_mem>>)
      %dma_wait3A = arith.constant 0 : i32
      %dma_wait3A_49 = tpu.memref_slice %arg12[%add3A_6, %dma_wait3A] : memref<10240x128xf32, #tpu.memory_space<vmem_shared>> -> memref<80x128xf32, #tpu.memory_space<vmem_shared>>
      %dma_wait3A_50 = arith.constant 0 : i32
      %dma_wait3A_51 = tpu.memref_slice %arg12[%add3A_6, %dma_wait3A_50] : memref<10240x128xf32, #tpu.memory_space<vmem_shared>> -> memref<80x128xf32, #tpu.memory_space<vmem_shared>>
      tpu.wait_dma2 semaphore(%run_scoped3A : memref<!tpu.dma_semaphore, #tpu.memory_space<semaphore_mem>>) src(%arg11 : memref<80x128xf32, #tpu.memory_space<vmem>>) dst(%dma_wait3A_51 : memref<80x128xf32, #tpu.memory_space<vmem_shared>>)
      tpu.yield
    }) : () -> ()
    %mul3A_7 = arith.constant 640 : i32
    %mul3A_8 = arith.muli %arg1, %mul3A_7 : i32
    %add3A_9 = arith.constant 80 : i32
    %add3A_10 = arith.addi %mul3A_8, %add3A_9 : i32
    "tpu.region"() ({
      %run_scoped3A = tpu.sem_alloc : memref<!tpu.dma_semaphore, #tpu.memory_space<semaphore_mem>>
      %dma_start3A = arith.constant 0 : i32
      %dma_start3A_46 = tpu.memref_slice %arg12[%add3A_10, %dma_start3A] : memref<10240x128xf32, #tpu.memory_space<vmem_shared>> -> memref<80x128xf32, #tpu.memory_space<vmem_shared>>
      %dma_start3A_47 = arith.constant 0 : i32
      %dma_start3A_48 = tpu.memref_slice %arg12[%add3A_10, %dma_start3A_47] : memref<10240x128xf32, #tpu.memory_space<vmem_shared>> -> memref<80x128xf32, #tpu.memory_space<vmem_shared>>
      tpu.enqueue_dma source(%arg11 : memref<80x128xf32, #tpu.memory_space<vmem>>) target(%dma_start3A_48 : memref<80x128xf32, #tpu.memory_space<vmem_shared>>) target_semaphore(%run_scoped3A : memref<!tpu.dma_semaphore, #tpu.memory_space<semaphore_mem>>)
      %dma_wait3A = arith.constant 0 : i32
      %dma_wait3A_49 = tpu.memref_slice %arg12[%add3A_10, %dma_wait3A] : memref<10240x128xf32, #tpu.memory_space<vmem_shared>> -> memref<80x128xf32, #tpu.memory_space<vmem_shared>>
      %dma_wait3A_50 = arith.constant 0 : i32
      %dma_wait3A_51 = tpu.memref_slice %arg12[%add3A_10, %dma_wait3A_50] : memref<10240x128xf32, #tpu.memory_space<vmem_shared>> -> memref<80x128xf32, #tpu.memory_space<vmem_shared>>
      tpu.wait_dma2 semaphore(%run_scoped3A : memref<!tpu.dma_semaphore, #tpu.memory_space<semaphore_mem>>) src(%arg11 : memref<80x128xf32, #tpu.memory_space<vmem>>) dst(%dma_wait3A_51 : memref<80x128xf32, #tpu.memory_space<vmem_shared>>)
      tpu.yield
    }) : () -> ()
    %mul3A_11 = arith.constant 640 : i32
    %mul3A_12 = arith.muli %arg1, %mul3A_11 : i32
    %add3A_13 = arith.constant 160 : i32
    %add3A_14 = arith.addi %mul3A_12, %add3A_13 : i32
    "tpu.region"() ({
      %run_scoped3A = tpu.sem_alloc : memref<!tpu.dma_semaphore, #tpu.memory_space<semaphore_mem>>
      %dma_start3A = arith.constant 0 : i32
      %dma_start3A_46 = tpu.memref_slice %arg12[%add3A_14, %dma_start3A] : memref<10240x128xf32, #tpu.memory_space<vmem_shared>> -> memref<80x128xf32, #tpu.memory_space<vmem_shared>>
      %dma_start3A_47 = arith.constant 0 : i32
      %dma_start3A_48 = tpu.memref_slice %arg12[%add3A_14, %dma_start3A_47] : memref<10240x128xf32, #tpu.memory_space<vmem_shared>> -> memref<80x128xf32, #tpu.memory_space<vmem_shared>>
      tpu.enqueue_dma source(%arg11 : memref<80x128xf32, #tpu.memory_space<vmem>>) target(%dma_start3A_48 : memref<80x128xf32, #tpu.memory_space<vmem_shared>>) target_semaphore(%run_scoped3A : memref<!tpu.dma_semaphore, #tpu.memory_space<semaphore_mem>>)
      %dma_wait3A = arith.constant 0 : i32
      %dma_wait3A_49 = tpu.memref_slice %arg12[%add3A_14, %dma_wait3A] : memref<10240x128xf32, #tpu.memory_space<vmem_shared>> -> memref<80x128xf32, #tpu.memory_space<vmem_shared>>
      %dma_wait3A_50 = arith.constant 0 : i32
      %dma_wait3A_51 = tpu.memref_slice %arg12[%add3A_14, %dma_wait3A_50] : memref<10240x128xf32, #tpu.memory_space<vmem_shared>> -> memref<80x128xf32, #tpu.memory_space<vmem_shared>>
      tpu.wait_dma2 semaphore(%run_scoped3A : memref<!tpu.dma_semaphore, #tpu.memory_space<semaphore_mem>>) src(%arg11 : memref<80x128xf32, #tpu.memory_space<vmem>>) dst(%dma_wait3A_51 : memref<80x128xf32, #tpu.memory_space<vmem_shared>>)
      tpu.yield
    }) : () -> ()
    %mul3A_15 = arith.constant 640 : i32
    %mul3A_16 = arith.muli %arg1, %mul3A_15 : i32
    %add3A_17 = arith.constant 240 : i32
    %add3A_18 = arith.addi %mul3A_16, %add3A_17 : i32
    "tpu.region"() ({
      %run_scoped3A = tpu.sem_alloc : memref<!tpu.dma_semaphore, #tpu.memory_space<semaphore_mem>>
      %dma_start3A = arith.constant 0 : i32
      %dma_start3A_46 = tpu.memref_slice %arg12[%add3A_18, %dma_start3A] : memref<10240x128xf32, #tpu.memory_space<vmem_shared>> -> memref<80x128xf32, #tpu.memory_space<vmem_shared>>
      %dma_start3A_47 = arith.constant 0 : i32
      %dma_start3A_48 = tpu.memref_slice %arg12[%add3A_18, %dma_start3A_47] : memref<10240x128xf32, #tpu.memory_space<vmem_shared>> -> memref<80x128xf32, #tpu.memory_space<vmem_shared>>
      tpu.enqueue_dma source(%arg11 : memref<80x128xf32, #tpu.memory_space<vmem>>) target(%dma_start3A_48 : memref<80x128xf32, #tpu.memory_space<vmem_shared>>) target_semaphore(%run_scoped3A : memref<!tpu.dma_semaphore, #tpu.memory_space<semaphore_mem>>)
      %dma_wait3A = arith.constant 0 : i32
      %dma_wait3A_49 = tpu.memref_slice %arg12[%add3A_18, %dma_wait3A] : memref<10240x128xf32, #tpu.memory_space<vmem_shared>> -> memref<80x128xf32, #tpu.memory_space<vmem_shared>>
      %dma_wait3A_50 = arith.constant 0 : i32
      %dma_wait3A_51 = tpu.memref_slice %arg12[%add3A_18, %dma_wait3A_50] : memref<10240x128xf32, #tpu.memory_space<vmem_shared>> -> memref<80x128xf32, #tpu.memory_space<vmem_shared>>
      tpu.wait_dma2 semaphore(%run_scoped3A : memref<!tpu.dma_semaphore, #tpu.memory_space<semaphore_mem>>) src(%arg11 : memref<80x128xf32, #tpu.memory_space<vmem>>) dst(%dma_wait3A_51 : memref<80x128xf32, #tpu.memory_space<vmem_shared>>)
      tpu.yield
    }) : () -> ()
    %mul3A_19 = arith.constant 640 : i32
    %mul3A_20 = arith.muli %arg1, %mul3A_19 : i32
    %add3A_21 = arith.constant 320 : i32
    %add3A_22 = arith.addi %mul3A_20, %add3A_21 : i32
    "tpu.region"() ({
      %run_scoped3A = tpu.sem_alloc : memref<!tpu.dma_semaphore, #tpu.memory_space<semaphore_mem>>
      %dma_start3A = arith.constant 0 : i32
      %dma_start3A_46 = tpu.memref_slice %arg12[%add3A_22, %dma_start3A] : memref<10240x128xf32, #tpu.memory_space<vmem_shared>> -> memref<80x128xf32, #tpu.memory_space<vmem_shared>>
      %dma_start3A_47 = arith.constant 0 : i32
      %dma_start3A_48 = tpu.memref_slice %arg12[%add3A_22, %dma_start3A_47] : memref<10240x128xf32, #tpu.memory_space<vmem_shared>> -> memref<80x128xf32, #tpu.memory_space<vmem_shared>>
      tpu.enqueue_dma source(%arg11 : memref<80x128xf32, #tpu.memory_space<vmem>>) target(%dma_start3A_48 : memref<80x128xf32, #tpu.memory_space<vmem_shared>>) target_semaphore(%run_scoped3A : memref<!tpu.dma_semaphore, #tpu.memory_space<semaphore_mem>>)
      %dma_wait3A = arith.constant 0 : i32
      %dma_wait3A_49 = tpu.memref_slice %arg12[%add3A_22, %dma_wait3A] : memref<10240x128xf32, #tpu.memory_space<vmem_shared>> -> memref<80x128xf32, #tpu.memory_space<vmem_shared>>
      %dma_wait3A_50 = arith.constant 0 : i32
      %dma_wait3A_51 = tpu.memref_slice %arg12[%add3A_22, %dma_wait3A_50] : memref<10240x128xf32, #tpu.memory_space<vmem_shared>> -> memref<80x128xf32, #tpu.memory_space<vmem_shared>>
      tpu.wait_dma2 semaphore(%run_scoped3A : memref<!tpu.dma_semaphore, #tpu.memory_space<semaphore_mem>>) src(%arg11 : memref<80x128xf32, #tpu.memory_space<vmem>>) dst(%dma_wait3A_51 : memref<80x128xf32, #tpu.memory_space<vmem_shared>>)
      tpu.yield
    }) : () -> ()
    %mul3A_23 = arith.constant 640 : i32
    %mul3A_24 = arith.muli %arg1, %mul3A_23 : i32
    %add3A_25 = arith.constant 400 : i32
    %add3A_26 = arith.addi %mul3A_24, %add3A_25 : i32
    "tpu.region"() ({
      %run_scoped3A = tpu.sem_alloc : memref<!tpu.dma_semaphore, #tpu.memory_space<semaphore_mem>>
      %dma_start3A = arith.constant 0 : i32
      %dma_start3A_46 = tpu.memref_slice %arg12[%add3A_26, %dma_start3A] : memref<10240x128xf32, #tpu.memory_space<vmem_shared>> -> memref<80x128xf32, #tpu.memory_space<vmem_shared>>
      %dma_start3A_47 = arith.constant 0 : i32
      %dma_start3A_48 = tpu.memref_slice %arg12[%add3A_26, %dma_start3A_47] : memref<10240x128xf32, #tpu.memory_space<vmem_shared>> -> memref<80x128xf32, #tpu.memory_space<vmem_shared>>
      tpu.enqueue_dma source(%arg11 : memref<80x128xf32, #tpu.memory_space<vmem>>) target(%dma_start3A_48 : memref<80x128xf32, #tpu.memory_space<vmem_shared>>) target_semaphore(%run_scoped3A : memref<!tpu.dma_semaphore, #tpu.memory_space<semaphore_mem>>)
      %dma_wait3A = arith.constant 0 : i32
      %dma_wait3A_49 = tpu.memref_slice %arg12[%add3A_26, %dma_wait3A] : memref<10240x128xf32, #tpu.memory_space<vmem_shared>> -> memref<80x128xf32, #tpu.memory_space<vmem_shared>>
      %dma_wait3A_50 = arith.constant 0 : i32
      %dma_wait3A_51 = tpu.memref_slice %arg12[%add3A_26, %dma_wait3A_50] : memref<10240x128xf32, #tpu.memory_space<vmem_shared>> -> memref<80x128xf32, #tpu.memory_space<vmem_shared>>
      tpu.wait_dma2 semaphore(%run_scoped3A : memref<!tpu.dma_semaphore, #tpu.memory_space<semaphore_mem>>) src(%arg11 : memref<80x128xf32, #tpu.memory_space<vmem>>) dst(%dma_wait3A_51 : memref<80x128xf32, #tpu.memory_space<vmem_shared>>)
      tpu.yield
    }) : () -> ()
    %mul3A_27 = arith.constant 640 : i32
    %mul3A_28 = arith.muli %arg1, %mul3A_27 : i32
    %add3A_29 = arith.constant 480 : i32
    %add3A_30 = arith.addi %mul3A_28, %add3A_29 : i32
    "tpu.region"() ({
      %run_scoped3A = tpu.sem_alloc : memref<!tpu.dma_semaphore, #tpu.memory_space<semaphore_mem>>
      %dma_start3A = arith.constant 0 : i32
      %dma_start3A_46 = tpu.memref_slice %arg12[%add3A_30, %dma_start3A] : memref<10240x128xf32, #tpu.memory_space<vmem_shared>> -> memref<80x128xf32, #tpu.memory_space<vmem_shared>>
      %dma_start3A_47 = arith.constant 0 : i32
      %dma_start3A_48 = tpu.memref_slice %arg12[%add3A_30, %dma_start3A_47] : memref<10240x128xf32, #tpu.memory_space<vmem_shared>> -> memref<80x128xf32, #tpu.memory_space<vmem_shared>>
      tpu.enqueue_dma source(%arg11 : memref<80x128xf32, #tpu.memory_space<vmem>>) target(%dma_start3A_48 : memref<80x128xf32, #tpu.memory_space<vmem_shared>>) target_semaphore(%run_scoped3A : memref<!tpu.dma_semaphore, #tpu.memory_space<semaphore_mem>>)
      %dma_wait3A = arith.constant 0 : i32
      %dma_wait3A_49 = tpu.memref_slice %arg12[%add3A_30, %dma_wait3A] : memref<10240x128xf32, #tpu.memory_space<vmem_shared>> -> memref<80x128xf32, #tpu.memory_space<vmem_shared>>
      %dma_wait3A_50 = arith.constant 0 : i32
      %dma_wait3A_51 = tpu.memref_slice %arg12[%add3A_30, %dma_wait3A_50] : memref<10240x128xf32, #tpu.memory_space<vmem_shared>> -> memref<80x128xf32, #tpu.memory_space<vmem_shared>>
      tpu.wait_dma2 semaphore(%run_scoped3A : memref<!tpu.dma_semaphore, #tpu.memory_space<semaphore_mem>>) src(%arg11 : memref<80x128xf32, #tpu.memory_space<vmem>>) dst(%dma_wait3A_51 : memref<80x128xf32, #tpu.memory_space<vmem_shared>>)
      tpu.yield
    }) : () -> ()
    %mul3A_31 = arith.constant 640 : i32
    %mul3A_32 = arith.muli %arg1, %mul3A_31 : i32
    %add3A_33 = arith.constant 560 : i32
    %add3A_34 = arith.addi %mul3A_32, %add3A_33 : i32
    "tpu.region"() ({
      %run_scoped3A = tpu.sem_alloc : memref<!tpu.dma_semaphore, #tpu.memory_space<semaphore_mem>>
      %dma_start3A = arith.constant 0 : i32
      %dma_start3A_46 = tpu.memref_slice %arg12[%add3A_34, %dma_start3A] : memref<10240x128xf32, #tpu.memory_space<vmem_shared>> -> memref<80x128xf32, #tpu.memory_space<vmem_shared>>
      %dma_start3A_47 = arith.constant 0 : i32
      %dma_start3A_48 = tpu.memref_slice %arg12[%add3A_34, %dma_start3A_47] : memref<10240x128xf32, #tpu.memory_space<vmem_shared>> -> memref<80x128xf32, #tpu.memory_space<vmem_shared>>
      tpu.enqueue_dma source(%arg11 : memref<80x128xf32, #tpu.memory_space<vmem>>) target(%dma_start3A_48 : memref<80x128xf32, #tpu.memory_space<vmem_shared>>) target_semaphore(%run_scoped3A : memref<!tpu.dma_semaphore, #tpu.memory_space<semaphore_mem>>)
      %dma_wait3A = arith.constant 0 : i32
      %dma_wait3A_49 = tpu.memref_slice %arg12[%add3A_34, %dma_wait3A] : memref<10240x128xf32, #tpu.memory_space<vmem_shared>> -> memref<80x128xf32, #tpu.memory_space<vmem_shared>>
      %dma_wait3A_50 = arith.constant 0 : i32
      %dma_wait3A_51 = tpu.memref_slice %arg12[%add3A_34, %dma_wait3A_50] : memref<10240x128xf32, #tpu.memory_space<vmem_shared>> -> memref<80x128xf32, #tpu.memory_space<vmem_shared>>
      tpu.wait_dma2 semaphore(%run_scoped3A : memref<!tpu.dma_semaphore, #tpu.memory_space<semaphore_mem>>) src(%arg11 : memref<80x128xf32, #tpu.memory_space<vmem>>) dst(%dma_wait3A_51 : memref<80x128xf32, #tpu.memory_space<vmem_shared>>)
      tpu.yield
    }) : () -> ()
    %barrier3A = arith.constant 0 : index
    tpu.barrier barrier_id(%barrier3A)
    %scan3A_35 = arith.constant 0 : i32
    %scan3A_36 = arith.constant 0 : i32
    %scan3A_37 = arith.constant 250 : i32
    %scan3A_38 = arith.addi %scan3A_36, %scan3A_37 : i32
    %scan3A_39 = arith.constant 1 : i32
    scf.for %scan3A_46 = %scan3A_36 to %scan3A_38 step %scan3A_39  : i32 {
      %mul3A_47 = arith.constant 20000 : i32
      %mul3A_48 = arith.muli %arg1, %mul3A_47 : i32
      %mul3A_49 = arith.constant 80 : i32
      %mul3A_50 = arith.muli %scan3A_46, %mul3A_49 : i32
      %add3A_51 = arith.addi %mul3A_48, %mul3A_50 : i32
      "tpu.region"() ({
        %run_scoped3A = tpu.sem_alloc : memref<!tpu.dma_semaphore, #tpu.memory_space<semaphore_mem>>
        %dma_start3A = tpu.memref_slice %arg4[%add3A_51] : memref<320000xi32, #tpu.memory_space<hbm>> -> memref<80xi32, #tpu.memory_space<hbm>>
        %dma_start3A_59 = tpu.memref_slice %arg4[%add3A_51] : memref<320000xi32, #tpu.memory_space<hbm>> -> memref<80xi32, #tpu.memory_space<hbm>>
        tpu.enqueue_dma source(%dma_start3A_59 : memref<80xi32, #tpu.memory_space<hbm>>) target(%arg8 : memref<80xi32, #tpu.memory_space<vmem>>) target_semaphore(%run_scoped3A : memref<!tpu.dma_semaphore, #tpu.memory_space<semaphore_mem>>)
        %dma_wait3A = tpu.memref_slice %arg4[%add3A_51] : memref<320000xi32, #tpu.memory_space<hbm>> -> memref<80xi32, #tpu.memory_space<hbm>>
        %dma_wait3A_60 = tpu.memref_slice %arg4[%add3A_51] : memref<320000xi32, #tpu.memory_space<hbm>> -> memref<80xi32, #tpu.memory_space<hbm>>
        tpu.wait_dma2 semaphore(%run_scoped3A : memref<!tpu.dma_semaphore, #tpu.memory_space<semaphore_mem>>) src(%dma_wait3A_60 : memref<80xi32, #tpu.memory_space<hbm>>) dst(%arg8 : memref<80xi32, #tpu.memory_space<vmem>>)
        tpu.yield
      }) : () -> ()
      "tpu.region"() ({
        %run_scoped3A = tpu.sem_alloc : memref<!tpu.dma_semaphore, #tpu.memory_space<semaphore_mem>>
        %dma_start3A = tpu.memref_slice %arg5[%add3A_51] : memref<320000xi32, #tpu.memory_space<hbm>> -> memref<80xi32, #tpu.memory_space<hbm>>
        %dma_start3A_59 = tpu.memref_slice %arg5[%add3A_51] : memref<320000xi32, #tpu.memory_space<hbm>> -> memref<80xi32, #tpu.memory_space<hbm>>
        tpu.enqueue_dma source(%dma_start3A_59 : memref<80xi32, #tpu.memory_space<hbm>>) target(%arg9 : memref<80xi32, #tpu.memory_space<vmem>>) target_semaphore(%run_scoped3A : memref<!tpu.dma_semaphore, #tpu.memory_space<semaphore_mem>>)
        %dma_wait3A = tpu.memref_slice %arg5[%add3A_51] : memref<320000xi32, #tpu.memory_space<hbm>> -> memref<80xi32, #tpu.memory_space<hbm>>
        %dma_wait3A_60 = tpu.memref_slice %arg5[%add3A_51] : memref<320000xi32, #tpu.memory_space<hbm>> -> memref<80xi32, #tpu.memory_space<hbm>>
        tpu.wait_dma2 semaphore(%run_scoped3A : memref<!tpu.dma_semaphore, #tpu.memory_space<semaphore_mem>>) src(%dma_wait3A_60 : memref<80xi32, #tpu.memory_space<hbm>>) dst(%arg9 : memref<80xi32, #tpu.memory_space<vmem>>)
        tpu.yield
      }) : () -> ()
      %eq3A = arith.constant 0 : i32
      %eq3A_52 = arith.cmpi eq, %arg0, %eq3A : i32
      %convert_element_type3A = arith.extui %eq3A_52 : i1 to i32
      %cond3A = arith.constant 0 : i32
      %cond3A_53 = arith.cmpi ne, %convert_element_type3A, %cond3A : i32
      scf.if %cond3A_53 {
        %dma_start3A = arith.constant 0 : i32
        %dma_start3A_59 = arith.constant 0 : i32
        %dma_start3A_60 = tpu.memref_slice %arg2[%dma_start3A, %dma_start3A_59] : memref<10000x128xf32, #tpu.memory_space<hbm>> -> memref<10000x128xf32, #tpu.memory_space<hbm>>
        tpu.enqueue_indirect_dma source(%dma_start3A_60 : memref<10000x128xf32, #tpu.memory_space<hbm>>) target(%arg11 : memref<80x128xf32, #tpu.memory_space<vmem>>) offsets(%arg8 : memref<80xi32, #tpu.memory_space<vmem>>) semaphore(%arg13 : memref<!tpu.dma_semaphore, #tpu.memory_space<semaphore_mem>>)
        %dma_wait3A = arith.constant 0 : i32
        %dma_wait3A_61 = arith.constant 0 : i32
        %dma_wait3A_62 = tpu.memref_slice %arg2[%dma_wait3A, %dma_wait3A_61] : memref<10000x128xf32, #tpu.memory_space<hbm>> -> memref<10000x128xf32, #tpu.memory_space<hbm>>
        tpu.wait_indirect_dma semaphore(%arg13 : memref<!tpu.dma_semaphore, #tpu.memory_space<semaphore_mem>>) src(%dma_wait3A_62 : memref<10000x128xf32, #tpu.memory_space<hbm>>) dst(%arg11 : memref<80x128xf32, #tpu.memory_space<vmem>>)
      } else {
      }
      %eq3A_54 = arith.constant 1 : i32
      %eq3A_55 = arith.cmpi eq, %arg0, %eq3A_54 : i32
      %convert_element_type3A_56 = arith.extui %eq3A_55 : i1 to i32
      %cond3A_57 = arith.constant 0 : i32
      %cond3A_58 = arith.cmpi ne, %convert_element_type3A_56, %cond3A_57 : i32
      scf.if %cond3A_58 {
        %dma_start3A = arith.constant 0 : i32
        %dma_start3A_59 = arith.constant 0 : i32
        %dma_start3A_60 = tpu.memref_slice %arg3[%dma_start3A, %dma_start3A_59] : memref<10000x128xf32, #tpu.memory_space<hbm>> -> memref<10000x128xf32, #tpu.memory_space<hbm>>
        tpu.enqueue_indirect_dma source(%dma_start3A_60 : memref<10000x128xf32, #tpu.memory_space<hbm>>) target(%arg11 : memref<80x128xf32, #tpu.memory_space<vmem>>) offsets(%arg8 : memref<80xi32, #tpu.memory_space<vmem>>) semaphore(%arg13 : memref<!tpu.dma_semaphore, #tpu.memory_space<semaphore_mem>>)
        %dma_wait3A = arith.constant 0 : i32
        %dma_wait3A_61 = arith.constant 0 : i32
        %dma_wait3A_62 = tpu.memref_slice %arg3[%dma_wait3A, %dma_wait3A_61] : memref<10000x128xf32, #tpu.memory_space<hbm>> -> memref<10000x128xf32, #tpu.memory_space<hbm>>
        tpu.wait_indirect_dma semaphore(%arg13 : memref<!tpu.dma_semaphore, #tpu.memory_space<semaphore_mem>>) src(%dma_wait3A_62 : memref<10000x128xf32, #tpu.memory_space<hbm>>) dst(%arg11 : memref<80x128xf32, #tpu.memory_space<vmem>>)
        "tpu.region"() ({
          %run_scoped3A = tpu.sem_alloc : memref<!tpu.dma_semaphore, #tpu.memory_space<semaphore_mem>>
          %dma_start3A_69 = arith.constant 0 : i32
          %dma_start3A_70 = tpu.memref_slice %arg6[%add3A_51, %dma_start3A_69] : memref<320000x16xf32, #tpu.memory_space<hbm>> -> memref<80x16xf32, #tpu.memory_space<hbm>>
          %dma_start3A_71 = arith.constant 0 : i32
          %dma_start3A_72 = tpu.memref_slice %arg6[%add3A_51, %dma_start3A_71] : memref<320000x16xf32, #tpu.memory_space<hbm>> -> memref<80x16xf32, #tpu.memory_space<hbm>>
          tpu.enqueue_dma source(%dma_start3A_72 : memref<80x16xf32, #tpu.memory_space<hbm>>) target(%arg10 : memref<80x16xf32, #tpu.memory_space<vmem>>) target_semaphore(%run_scoped3A : memref<!tpu.dma_semaphore, #tpu.memory_space<semaphore_mem>>)
          %dma_wait3A_73 = arith.constant 0 : i32
          %dma_wait3A_74 = tpu.memref_slice %arg6[%add3A_51, %dma_wait3A_73] : memref<320000x16xf32, #tpu.memory_space<hbm>> -> memref<80x16xf32, #tpu.memory_space<hbm>>
          %dma_wait3A_75 = arith.constant 0 : i32
          %dma_wait3A_76 = tpu.memref_slice %arg6[%add3A_51, %dma_wait3A_75] : memref<320000x16xf32, #tpu.memory_space<hbm>> -> memref<80x16xf32, #tpu.memory_space<hbm>>
          tpu.wait_dma2 semaphore(%run_scoped3A : memref<!tpu.dma_semaphore, #tpu.memory_space<semaphore_mem>>) src(%dma_wait3A_76 : memref<80x16xf32, #tpu.memory_space<hbm>>) dst(%arg10 : memref<80x16xf32, #tpu.memory_space<vmem>>)
          tpu.yield
        }) : () -> ()
        %scan3A_63 = arith.constant 0 : i32
        %scan3A_64 = arith.constant 0 : i32
        %scan3A_65 = arith.constant 80 : i32
        %scan3A_66 = arith.addi %scan3A_64, %scan3A_65 : i32
        %scan3A_67 = arith.constant 1 : i32
        scf.for %scan3A_69 = %scan3A_64 to %scan3A_66 step %scan3A_67  : i32 {
          %get3A = arith.index_cast %scan3A_69 : i32 to index
          %get3A_70 = arith.constant 0 : index
          %get3A_71 = tpu.vector_load %arg10[%get3A, %get3A_70] {strides = array<i32>} : memref<80x16xf32, #tpu.memory_space<vmem>>, vector<1x16xf32>,
          %get3A_72 = vector.shape_cast %get3A_71 : vector<1x16xf32> to vector<16xf32>
          %get3A_73 = arith.index_cast %scan3A_69 : i32 to index
          %get3A_74 = arith.constant 0 : index
          %get3A_75 = tpu.vector_load %arg11[%get3A_73, %get3A_74] {strides = array<i32>} : memref<80x128xf32, #tpu.memory_space<vmem>>, vector<1x16xf32>,
          %get3A_76 = vector.shape_cast %get3A_75 : vector<1x16xf32> to vector<16xf32>
          %mul3A_77 = arith.mulf %get3A_76, %get3A_72 : vector<16xf32>
          %swap3A = arith.index_cast %scan3A_69 : i32 to index
          %swap3A_78 = arith.constant 0 : index
          %swap3A_79 = tpu.vector_load %arg11[%swap3A, %swap3A_78] {strides = array<i32>} : memref<80x128xf32, #tpu.memory_space<vmem>>, vector<1x16xf32>,
          %swap3A_80 = vector.shape_cast %swap3A_79 : vector<1x16xf32> to vector<16xf32>
          %swap3A_81 = vector.shape_cast %mul3A_77 : vector<16xf32> to vector<1x16xf32>
          tpu.vector_store %arg11[%swap3A, %swap3A_78], %swap3A_81 {strides = array<i32>} : memref<80x128xf32, #tpu.memory_space<vmem>>, vector<1x16xf32>,
          %get3A_82 = arith.index_cast %scan3A_69 : i32 to index
          %get3A_83 = arith.constant 16 : index
          %get3A_84 = tpu.vector_load %arg11[%get3A_82, %get3A_83] {strides = array<i32>} : memref<80x128xf32, #tpu.memory_space<vmem>>, vector<1x16xf32>,
          %get3A_85 = vector.shape_cast %get3A_84 : vector<1x16xf32> to vector<16xf32>
          %mul3A_86 = arith.mulf %get3A_85, %get3A_72 : vector<16xf32>
          %swap3A_87 = arith.index_cast %scan3A_69 : i32 to index
          %swap3A_88 = arith.constant 16 : index
          %swap3A_89 = tpu.vector_load %arg11[%swap3A_87, %swap3A_88] {strides = array<i32>} : memref<80x128xf32, #tpu.memory_space<vmem>>, vector<1x16xf32>,
          %swap3A_90 = vector.shape_cast %swap3A_89 : vector<1x16xf32> to vector<16xf32>
          %swap3A_91 = vector.shape_cast %mul3A_86 : vector<16xf32> to vector<1x16xf32>
          tpu.vector_store %arg11[%swap3A_87, %swap3A_88], %swap3A_91 {strides = array<i32>} : memref<80x128xf32, #tpu.memory_space<vmem>>, vector<1x16xf32>,
          %get3A_92 = arith.index_cast %scan3A_69 : i32 to index
          %get3A_93 = arith.constant 32 : index
          %get3A_94 = tpu.vector_load %arg11[%get3A_92, %get3A_93] {strides = array<i32>} : memref<80x128xf32, #tpu.memory_space<vmem>>, vector<1x16xf32>,
          %get3A_95 = vector.shape_cast %get3A_94 : vector<1x16xf32> to vector<16xf32>
          %mul3A_96 = arith.mulf %get3A_95, %get3A_72 : vector<16xf32>
          %swap3A_97 = arith.index_cast %scan3A_69 : i32 to index
          %swap3A_98 = arith.constant 32 : index
          %swap3A_99 = tpu.vector_load %arg11[%swap3A_97, %swap3A_98] {strides = array<i32>} : memref<80x128xf32, #tpu.memory_space<vmem>>, vector<1x16xf32>,
          %swap3A_100 = vector.shape_cast %swap3A_99 : vector<1x16xf32> to vector<16xf32>
          %swap3A_101 = vector.shape_cast %mul3A_96 : vector<16xf32> to vector<1x16xf32>
          tpu.vector_store %arg11[%swap3A_97, %swap3A_98], %swap3A_101 {strides = array<i32>} : memref<80x128xf32, #tpu.memory_space<vmem>>, vector<1x16xf32>,
          %get3A_102 = arith.index_cast %scan3A_69 : i32 to index
          %get3A_103 = arith.constant 48 : index
          %get3A_104 = tpu.vector_load %arg11[%get3A_102, %get3A_103] {strides = array<i32>} : memref<80x128xf32, #tpu.memory_space<vmem>>, vector<1x16xf32>,
          %get3A_105 = vector.shape_cast %get3A_104 : vector<1x16xf32> to vector<16xf32>
          %mul3A_106 = arith.mulf %get3A_105, %get3A_72 : vector<16xf32>
          %swap3A_107 = arith.index_cast %scan3A_69 : i32 to index
          %swap3A_108 = arith.constant 48 : index
          %swap3A_109 = tpu.vector_load %arg11[%swap3A_107, %swap3A_108] {strides = array<i32>} : memref<80x128xf32, #tpu.memory_space<vmem>>, vector<1x16xf32>,
          %swap3A_110 = vector.shape_cast %swap3A_109 : vector<1x16xf32> to vector<16xf32>
          %swap3A_111 = vector.shape_cast %mul3A_106 : vector<16xf32> to vector<1x16xf32>
          tpu.vector_store %arg11[%swap3A_107, %swap3A_108], %swap3A_111 {strides = array<i32>} : memref<80x128xf32, #tpu.memory_space<vmem>>, vector<1x16xf32>,
          %get3A_112 = arith.index_cast %scan3A_69 : i32 to index
          %get3A_113 = arith.constant 64 : index
          %get3A_114 = tpu.vector_load %arg11[%get3A_112, %get3A_113] {strides = array<i32>} : memref<80x128xf32, #tpu.memory_space<vmem>>, vector<1x16xf32>,
          %get3A_115 = vector.shape_cast %get3A_114 : vector<1x16xf32> to vector<16xf32>
          %mul3A_116 = arith.mulf %get3A_115, %get3A_72 : vector<16xf32>
          %swap3A_117 = arith.index_cast %scan3A_69 : i32 to index
          %swap3A_118 = arith.constant 64 : index
          %swap3A_119 = tpu.vector_load %arg11[%swap3A_117, %swap3A_118] {strides = array<i32>} : memref<80x128xf32, #tpu.memory_space<vmem>>, vector<1x16xf32>,
          %swap3A_120 = vector.shape_cast %swap3A_119 : vector<1x16xf32> to vector<16xf32>
          %swap3A_121 = vector.shape_cast %mul3A_116 : vector<16xf32> to vector<1x16xf32>
          tpu.vector_store %arg11[%swap3A_117, %swap3A_118], %swap3A_121 {strides = array<i32>} : memref<80x128xf32, #tpu.memory_space<vmem>>, vector<1x16xf32>,
          %get3A_122 = arith.index_cast %scan3A_69 : i32 to index
          %get3A_123 = arith.constant 80 : index
          %get3A_124 = tpu.vector_load %arg11[%get3A_122, %get3A_123] {strides = array<i32>} : memref<80x128xf32, #tpu.memory_space<vmem>>, vector<1x16xf32>,
          %get3A_125 = vector.shape_cast %get3A_124 : vector<1x16xf32> to vector<16xf32>
          %mul3A_126 = arith.mulf %get3A_125, %get3A_72 : vector<16xf32>
          %swap3A_127 = arith.index_cast %scan3A_69 : i32 to index
          %swap3A_128 = arith.constant 80 : index
          %swap3A_129 = tpu.vector_load %arg11[%swap3A_127, %swap3A_128] {strides = array<i32>} : memref<80x128xf32, #tpu.memory_space<vmem>>, vector<1x16xf32>,
          %swap3A_130 = vector.shape_cast %swap3A_129 : vector<1x16xf32> to vector<16xf32>
          %swap3A_131 = vector.shape_cast %mul3A_126 : vector<16xf32> to vector<1x16xf32>
          tpu.vector_store %arg11[%swap3A_127, %swap3A_128], %swap3A_131 {strides = array<i32>} : memref<80x128xf32, #tpu.memory_space<vmem>>, vector<1x16xf32>,
          %get3A_132 = arith.index_cast %scan3A_69 : i32 to index
          %get3A_133 = arith.constant 96 : index
          %get3A_134 = tpu.vector_load %arg11[%get3A_132, %get3A_133] {strides = array<i32>} : memref<80x128xf32, #tpu.memory_space<vmem>>, vector<1x16xf32>,
          %get3A_135 = vector.shape_cast %get3A_134 : vector<1x16xf32> to vector<16xf32>
          %mul3A_136 = arith.mulf %get3A_135, %get3A_72 : vector<16xf32>
          %swap3A_137 = arith.index_cast %scan3A_69 : i32 to index
          %swap3A_138 = arith.constant 96 : index
          %swap3A_139 = tpu.vector_load %arg11[%swap3A_137, %swap3A_138] {strides = array<i32>} : memref<80x128xf32, #tpu.memory_space<vmem>>, vector<1x16xf32>,
          %swap3A_140 = vector.shape_cast %swap3A_139 : vector<1x16xf32> to vector<16xf32>
          %swap3A_141 = vector.shape_cast %mul3A_136 : vector<16xf32> to vector<1x16xf32>
          tpu.vector_store %arg11[%swap3A_137, %swap3A_138], %swap3A_141 {strides = array<i32>} : memref<80x128xf32, #tpu.memory_space<vmem>>, vector<1x16xf32>,
          %get3A_142 = arith.index_cast %scan3A_69 : i32 to index
          %get3A_143 = arith.constant 112 : index
          %get3A_144 = tpu.vector_load %arg11[%get3A_142, %get3A_143] {strides = array<i32>} : memref<80x128xf32, #tpu.memory_space<vmem>>, vector<1x16xf32>,
          %get3A_145 = vector.shape_cast %get3A_144 : vector<1x16xf32> to vector<16xf32>
          %mul3A_146 = arith.mulf %get3A_145, %get3A_72 : vector<16xf32>
          %swap3A_147 = arith.index_cast %scan3A_69 : i32 to index
          %swap3A_148 = arith.constant 112 : index
          %swap3A_149 = tpu.vector_load %arg11[%swap3A_147, %swap3A_148] {strides = array<i32>} : memref<80x128xf32, #tpu.memory_space<vmem>>, vector<1x16xf32>,
          %swap3A_150 = vector.shape_cast %swap3A_149 : vector<1x16xf32> to vector<16xf32>
          %swap3A_151 = vector.shape_cast %mul3A_146 : vector<16xf32> to vector<1x16xf32>
          tpu.vector_store %arg11[%swap3A_147, %swap3A_148], %swap3A_151 {strides = array<i32>} : memref<80x128xf32, #tpu.memory_space<vmem>>, vector<1x16xf32>,
        }
        %scan3A_68 = arith.constant 80 : i32
      } else {
      }
      "tpu.region"() ({
        %run_scoped3A = tpu.sem_alloc : memref<!tpu.dma_semaphore, #tpu.memory_space<semaphore_mem>>
        %dma_start3A = arith.constant 0 : i32
        %dma_start3A_59 = arith.constant 0 : i32
        %dma_start3A_60 = tpu.memref_slice %arg12[%dma_start3A, %dma_start3A_59] : memref<10240x128xf32, #tpu.memory_space<vmem_shared>> -> memref<10240x128xf32, #tpu.memory_space<vmem_shared>>
        tpu.enqueue_indirect_dma source(%arg11 : memref<80x128xf32, #tpu.memory_space<vmem>>) target(%dma_start3A_60 : memref<10240x128xf32, #tpu.memory_space<vmem_shared>>) offsets(%arg9 : memref<80xi32, #tpu.memory_space<vmem>>) semaphore(%run_scoped3A : memref<!tpu.dma_semaphore, #tpu.memory_space<semaphore_mem>>) {add = true}
        %dma_wait3A = arith.constant 0 : i32
        %dma_wait3A_61 = arith.constant 0 : i32
        %dma_wait3A_62 = tpu.memref_slice %arg12[%dma_wait3A, %dma_wait3A_61] : memref<10240x128xf32, #tpu.memory_space<vmem_shared>> -> memref<10240x128xf32, #tpu.memory_space<vmem_shared>>
        tpu.wait_indirect_dma semaphore(%run_scoped3A : memref<!tpu.dma_semaphore, #tpu.memory_space<semaphore_mem>>) src(%arg11 : memref<80x128xf32, #tpu.memory_space<vmem>>) dst(%dma_wait3A_62 : memref<10240x128xf32, #tpu.memory_space<vmem_shared>>)
        tpu.yield
      }) : () -> ()
    }
    %scan3A_40 = arith.constant 250 : i32
    %barrier3A_41 = arith.constant 0 : index
    tpu.barrier barrier_id(%barrier3A_41)
    %mul3A_42 = arith.constant 640 : i32
    %mul3A_43 = arith.muli %arg1, %mul3A_42 : i32
    %mul3A_44 = arith.constant 640 : i32
    %mul3A_45 = arith.muli %arg1, %mul3A_44 : i32
    "tpu.region"() ({
      %run_scoped3A = tpu.sem_alloc : memref<!tpu.dma_semaphore, #tpu.memory_space<semaphore_mem>>
      %dma_start3A = arith.constant 0 : i32
      %dma_start3A_46 = tpu.memref_slice %arg7[%arg0, %mul3A_45, %dma_start3A] : memref<2x10240x128xf32, #tpu.memory_space<hbm>> -> memref<1x640x128xf32, #tpu.memory_space<hbm>>
      %dma_start3A_47 = tpu.memref_squeeze %dma_start3A_46 : memref<1x640x128xf32, #tpu.memory_space<hbm>> -> memref<640x128xf32, #tpu.memory_space<hbm>>
      %dma_start3A_48 = arith.constant 0 : i32
      %dma_start3A_49 = tpu.memref_slice %arg12[%mul3A_43, %dma_start3A_48] : memref<10240x128xf32, #tpu.memory_space<vmem_shared>> -> memref<640x128xf32, #tpu.memory_space<vmem_shared>>
      tpu.enqueue_dma source(%dma_start3A_49 : memref<640x128xf32, #tpu.memory_space<vmem_shared>>) target(%dma_start3A_47 : memref<640x128xf32, #tpu.memory_space<hbm>>) target_semaphore(%run_scoped3A : memref<!tpu.dma_semaphore, #tpu.memory_space<semaphore_mem>>)
      %dma_wait3A = arith.constant 0 : i32
      %dma_wait3A_50 = tpu.memref_slice %arg7[%arg0, %mul3A_45, %dma_wait3A] : memref<2x10240x128xf32, #tpu.memory_space<hbm>> -> memref<1x640x128xf32, #tpu.memory_space<hbm>>
      %dma_wait3A_51 = tpu.memref_squeeze %dma_wait3A_50 : memref<1x640x128xf32, #tpu.memory_space<hbm>> -> memref<640x128xf32, #tpu.memory_space<hbm>>
      %dma_wait3A_52 = arith.constant 0 : i32
      %dma_wait3A_53 = tpu.memref_slice %arg12[%mul3A_43, %dma_wait3A_52] : memref<10240x128xf32, #tpu.memory_space<vmem_shared>> -> memref<640x128xf32, #tpu.memory_space<vmem_shared>>
      tpu.wait_dma2 semaphore(%run_scoped3A : memref<!tpu.dma_semaphore, #tpu.memory_space<semaphore_mem>>) src(%dma_wait3A_53 : memref<640x128xf32, #tpu.memory_space<vmem_shared>>) dst(%dma_wait3A_51 : memref<640x128xf32, #tpu.memory_space<hbm>>)
      tpu.yield
    }) : () -> ()
    return
  }
}

module attributes {stable_mosaic.version = 14 : i64} {
  func.func @_a2_body(%arg0: memref<2500x128xf32, #tpu.memory_space<vmem>>, %arg1: memref<2500x128xf32, #tpu.memory_space<vmem>>) attributes {dimension_semantics = [], scalar_prefetch = 0 : i64, scratch_operands = 0 : i64, tpu.core_type = #tpu.core_type<tc>} {
    %get3A = arith.constant 0 : index
    %get3A_0 = arith.constant 0 : index
    %get3A_1 = vector.load %arg0[%get3A, %get3A_0] : memref<2500x128xf32, #tpu.memory_space<vmem>>, vector<2500x128xf32>
    %gt3A = arith.constant 0.000000e+00 : f32
    %gt3A_2 = vector.broadcast %gt3A : f32 to vector<2500x128xf32>
    %gt3A_3 = arith.cmpf ogt, %get3A_1, %gt3A_2 : vector<2500x128xf32>
    %rsqrt3A = math.rsqrt %get3A_1 : vector<2500x128xf32>
    %min3A = arith.constant 1.000000e+00 : f32
    %min3A_4 = vector.broadcast %min3A : f32 to vector<2500x128xf32>
    %min3A_5 = arith.minimumf %rsqrt3A, %min3A_4 : vector<2500x128xf32>
    %jit3A = arith.constant 0.000000e+00 : f32
    %broadcast_in_dim3A = vector.broadcast %jit3A : f32 to vector<2500x128xf32>
    %select_n3A = arith.select %gt3A_3, %min3A_5, %broadcast_in_dim3A : vector<2500x128xi1>, vector<2500x128xf32>
    %swap3A = arith.constant 0 : index
    %swap3A_6 = arith.constant 0 : index
    %swap3A_7 = vector.load %arg1[%swap3A, %swap3A_6] : memref<2500x128xf32, #tpu.memory_space<vmem>>, vector<2500x128xf32>
    tpu.vector_store %arg1[%swap3A, %swap3A_6], %select_n3A {strides = array<i32>} : memref<2500x128xf32, #tpu.memory_space<vmem>>, vector<2500x128xf32>,
    return
  }
}

module attributes {stable_mosaic.version = 14 : i64} {
  func.func @_prep_body(%arg0: i32, %arg1: memref<1x1xi32, #tpu.memory_space<smem>>, %arg2: memref<1000x128xf32, #tpu.memory_space<vmem>>, %arg3: memref<1000x98xf32, #tpu.memory_space<vmem>>, %arg4: memref<128x128xf32, #tpu.memory_space<vmem>>, %arg5: memref<128x98xf32, #tpu.memory_space<vmem>>, %arg6: memref<1x1000x2xf32, #tpu.memory_space<vmem>>, %arg7: memref<1000x128xf32, #tpu.memory_space<vmem>>, %arg8: memref<1000x128xf32, #tpu.memory_space<vmem>>) attributes {dimension_semantics = [#tpu.dimension_semantics<arbitrary>], iteration_bounds = array<i64: 10>, scalar_prefetch = 0 : i64, scratch_operands = 0 : i64, tpu.core_type = #tpu.core_type<tc>, window_params = [{transform_indices = @transform_0, window_bounds = array<i64: 1, 1>}, {transform_indices = @transform_1, window_bounds = array<i64: 1000, 128>}, {transform_indices = @transform_2, window_bounds = array<i64: 1000, 98>}, {pipeline_mode = #tpu.pipeline_mode<synchronous>, transform_indices = @transform_3, window_bounds = array<i64: 128, 128>}, {pipeline_mode = #tpu.pipeline_mode<synchronous>, transform_indices = @transform_4, window_bounds = array<i64: 128, 98>}, {transform_indices = @transform_5, window_bounds = array<i64: 1, 1000, 2>}, {transform_indices = @transform_6, window_bounds = array<i64: 1000, 128>}, {transform_indices = @transform_7, window_bounds = array<i64: 1000, 128>}]} {
    %get3A = arith.constant 0 : index
    %get3A_0 = arith.constant 0 : index
    %get3A_1 = vector.load %arg2[%get3A, %get3A_0] : memref<1000x128xf32, #tpu.memory_space<vmem>>, vector<1000x128xf32>
    %get3A_2 = arith.constant 0 : index
    %get3A_3 = arith.constant 0 : index
    %get3A_4 = vector.load %arg4[%get3A_2, %get3A_3] : memref<128x128xf32, #tpu.memory_space<vmem>>, vector<128x128xf32>
    %dot_general3A = arith.constant dense<0.000000e+00> : vector<1000x128xf32>
    %dot_general3A_5 = tpu.matmul %get3A_1, %get3A_4, %dot_general3A {dimension_numbers = #tpu.dot_dimension_numbers<[1], [1], [0], [0], [0, 0, 1, 0], [], []>, transpose_lhs_hint = false} : vector<1000x128xf32>, vector<128x128xf32>, vector<1000x128xf32> -> vector<1000x128xf32>
    %get3A_6 = arith.constant 0 : index
    %get3A_7 = arith.constant 0 : index
    %get3A_8 = vector.load %arg3[%get3A_6, %get3A_7] : memref<1000x98xf32, #tpu.memory_space<vmem>>, vector<1000x98xf32>
    %get3A_9 = arith.constant 0 : index
    %get3A_10 = arith.constant 0 : index
    %get3A_11 = vector.load %arg5[%get3A_9, %get3A_10] : memref<128x98xf32, #tpu.memory_space<vmem>>, vector<128x98xf32>
    %dot_general3A_12 = arith.constant dense<0.000000e+00> : vector<1000x128xf32>
    %dot_general3A_13 = tpu.matmul %get3A_8, %get3A_11, %dot_general3A_12 {dimension_numbers = #tpu.dot_dimension_numbers<[1], [1], [0], [0], [0, 0, 1, 0], [], []>, transpose_lhs_hint = false} : vector<1000x98xf32>, vector<128x98xf32>, vector<1000x128xf32> -> vector<1000x128xf32>
    %add3A = arith.addf %dot_general3A_5, %dot_general3A_13 : vector<1000x128xf32>
    %get3A_14 = arith.constant 0 : index
    %get3A_15 = arith.constant 0 : index
    %get3A_16 = memref.load %arg1[%get3A_14, %get3A_15] : memref<1x1xi32, #tpu.memory_space<smem>>
    %ne3A = arith.constant 0 : i32
    %ne3A_17 = arith.cmpi ne, %get3A_16, %ne3A : i32
    %select_n3A = arith.select %ne3A_17, %add3A, %get3A_1 : vector<1000x128xf32>
    %get3A_18 = arith.constant 0 : index
    %get3A_19 = arith.constant 0 : index
    %get3A_20 = arith.constant 0 : index
    %get3A_21 = vector.load %arg6[%get3A_18, %get3A_19, %get3A_20] : memref<1x1000x2xf32, #tpu.memory_space<vmem>>, vector<1x1000x2xf32>
    %get3A_22 = vector.shape_cast %get3A_21 : vector<1x1000x2xf32> to vector<1000x2xf32>
    %reduce_sum3A = arith.constant dense<0.000000e+00> : vector<1000xf32>
    %reduce_sum3A_23 = vector.multi_reduction <add>, %get3A_22, %reduce_sum3A [1] : vector<1000x2xf32> to vector<1000xf32>
    %broadcast_in_dim3A = vector.shape_cast %reduce_sum3A_23 : vector<1000xf32> to vector<1000x1xf32>
    %add3A_24 = arith.constant 1.000000e+00 : f32
    %add3A_25 = vector.broadcast %add3A_24 : f32 to vector<1000x1xf32>
    %add3A_26 = arith.addf %broadcast_in_dim3A, %add3A_25 : vector<1000x1xf32>
    %rsqrt3A = math.rsqrt %add3A_26 : vector<1000x1xf32>
    %swap3A = arith.constant 0 : index
    %swap3A_27 = arith.constant 0 : index
    %swap3A_28 = vector.load %arg7[%swap3A, %swap3A_27] : memref<1000x128xf32, #tpu.memory_space<vmem>>, vector<1000x128xf32>
    tpu.vector_store %arg7[%swap3A, %swap3A_27], %select_n3A {strides = array<i32>} : memref<1000x128xf32, #tpu.memory_space<vmem>>, vector<1000x128xf32>,
    %mul3A = vector.broadcast %rsqrt3A : vector<1000x1xf32> to vector<1000x128xf32>
    %mul3A_29 = arith.mulf %select_n3A, %mul3A : vector<1000x128xf32>
    %swap3A_30 = arith.constant 0 : index
    %swap3A_31 = arith.constant 0 : index
    %swap3A_32 = vector.load %arg8[%swap3A_30, %swap3A_31] : memref<1000x128xf32, #tpu.memory_space<vmem>>, vector<1000x128xf32>
    tpu.vector_store %arg8[%swap3A_30, %swap3A_31], %mul3A_29 {strides = array<i32>} : memref<1000x128xf32, #tpu.memory_space<vmem>>, vector<1000x128xf32>,
    return
  }
  func.func @transform_0(%arg0: i32) -> (i32, i32) {
    %c0_i32 = arith.constant 0 : i32
    %c0_i32_0 = arith.constant 0 : i32
    %c0_i32_1 = arith.constant 0 : i32
    return %c0_i32, %c0_i32_0 : i32, i32
  }
  func.func @transform_1(%arg0: i32) -> (i32, i32) {
    %c0_i32 = arith.constant 0 : i32
    %c0_i32_0 = arith.constant 0 : i32
    return %arg0, %c0_i32 : i32, i32
  }
  func.func @transform_2(%arg0: i32) -> (i32, i32) {
    %c0_i32 = arith.constant 0 : i32
    %c0_i32_0 = arith.constant 0 : i32
    return %arg0, %c0_i32 : i32, i32
  }
  func.func @transform_3(%arg0: i32) -> (i32, i32) {
    %c0_i32 = arith.constant 0 : i32
    %c0_i32_0 = arith.constant 0 : i32
    %c0_i32_1 = arith.constant 0 : i32
    return %c0_i32, %c0_i32_0 : i32, i32
  }
  func.func @transform_4(%arg0: i32) -> (i32, i32) {
    %c0_i32 = arith.constant 0 : i32
    %c0_i32_0 = arith.constant 0 : i32
    %c0_i32_1 = arith.constant 0 : i32
    return %c0_i32, %c0_i32_0 : i32, i32
  }
  func.func @transform_5(%arg0: i32) -> (i32, i32, i32) {
    %c0_i32 = arith.constant 0 : i32
    %c0_i32_0 = arith.constant 0 : i32
    %c0_i32_1 = arith.constant 0 : i32
    return %arg0, %c0_i32, %c0_i32_0 : i32, i32, i32
  }
  func.func @transform_6(%arg0: i32) -> (i32, i32) {
    %c0_i32 = arith.constant 0 : i32
    %c0_i32_0 = arith.constant 0 : i32
    return %arg0, %c0_i32 : i32, i32
  }
  func.func @transform_7(%arg0: i32) -> (i32, i32) {
    %c0_i32 = arith.constant 0 : i32
    %c0_i32_0 = arith.constant 0 : i32
    return %arg0, %c0_i32 : i32, i32
  }
}

module attributes {stable_mosaic.version = 14 : i64} {
  func.func @_final_body(%arg0: i32, %arg1: memref<1000x128xf32, #tpu.memory_space<vmem>>, %arg2: memref<1000x128xf32, #tpu.memory_space<vmem>>, %arg3: memref<1000x128xf32, #tpu.memory_space<vmem>>, %arg4: memref<1x1000x2xf32, #tpu.memory_space<vmem>>, %arg5: memref<128x128xf32, #tpu.memory_space<vmem>>, %arg6: memref<128x128xf32, #tpu.memory_space<vmem>>, %arg7: memref<1000x128xf32, #tpu.memory_space<vmem>>) attributes {dimension_semantics = [#tpu.dimension_semantics<arbitrary>], iteration_bounds = array<i64: 10>, scalar_prefetch = 0 : i64, scratch_operands = 0 : i64, tpu.core_type = #tpu.core_type<tc>, window_params = [{transform_indices = @transform_0, window_bounds = array<i64: 1000, 128>}, {transform_indices = @transform_1, window_bounds = array<i64: 1000, 128>}, {transform_indices = @transform_2, window_bounds = array<i64: 1000, 128>}, {transform_indices = @transform_3, window_bounds = array<i64: 1, 1000, 2>}, {pipeline_mode = #tpu.pipeline_mode<synchronous>, transform_indices = @transform_4, window_bounds = array<i64: 128, 128>}, {pipeline_mode = #tpu.pipeline_mode<synchronous>, transform_indices = @transform_5, window_bounds = array<i64: 128, 128>}, {transform_indices = @transform_6, window_bounds = array<i64: 1000, 128>}]} {
    %get3A = arith.constant 0 : index
    %get3A_0 = arith.constant 0 : index
    %get3A_1 = arith.constant 0 : index
    %get3A_2 = vector.load %arg4[%get3A, %get3A_0, %get3A_1] : memref<1x1000x2xf32, #tpu.memory_space<vmem>>, vector<1x1000x2xf32>
    %get3A_3 = vector.shape_cast %get3A_2 : vector<1x1000x2xf32> to vector<1000x2xf32>
    %reduce_sum3A = arith.constant dense<0.000000e+00> : vector<1000xf32>
    %reduce_sum3A_4 = vector.multi_reduction <add>, %get3A_3, %reduce_sum3A [1] : vector<1000x2xf32> to vector<1000xf32>
    %broadcast_in_dim3A = vector.shape_cast %reduce_sum3A_4 : vector<1000xf32> to vector<1000x1xf32>
    %add3A = arith.constant 1.000000e+00 : f32
    %add3A_5 = vector.broadcast %add3A : f32 to vector<1000x1xf32>
    %add3A_6 = arith.addf %broadcast_in_dim3A, %add3A_5 : vector<1000x1xf32>
    %rsqrt3A = math.rsqrt %add3A_6 : vector<1000x1xf32>
    %get3A_7 = arith.constant 0 : index
    %get3A_8 = arith.constant 0 : index
    %get3A_9 = vector.load %arg3[%get3A_7, %get3A_8] : memref<1000x128xf32, #tpu.memory_space<vmem>>, vector<1000x128xf32>
    %get3A_10 = arith.constant 0 : index
    %get3A_11 = arith.constant 0 : index
    %get3A_12 = vector.load %arg1[%get3A_10, %get3A_11] : memref<1000x128xf32, #tpu.memory_space<vmem>>, vector<1000x128xf32>
    %mul3A = vector.broadcast %rsqrt3A : vector<1000x1xf32> to vector<1000x128xf32>
    %mul3A_13 = arith.mulf %get3A_12, %mul3A : vector<1000x128xf32>
    %div3A = arith.constant 1.000000e+00 : f32
    %div3A_14 = vector.broadcast %div3A : f32 to vector<1000x1xf32>
    %div3A_15 = arith.divf %div3A_14, %add3A_6 : vector<1000x1xf32>
    %mul3A_16 = vector.broadcast %div3A_15 : vector<1000x1xf32> to vector<1000x128xf32>
    %mul3A_17 = arith.mulf %get3A_9, %mul3A_16 : vector<1000x128xf32>
    %add3A_18 = arith.addf %mul3A_13, %mul3A_17 : vector<1000x128xf32>
    %get3A_19 = arith.constant 0 : index
    %get3A_20 = arith.constant 0 : index
    %get3A_21 = vector.load %arg2[%get3A_19, %get3A_20] : memref<1000x128xf32, #tpu.memory_space<vmem>>, vector<1000x128xf32>
    %add3A_22 = arith.addf %get3A_21, %get3A_9 : vector<1000x128xf32>
    %get3A_23 = arith.constant 0 : index
    %get3A_24 = arith.constant 0 : index
    %get3A_25 = vector.load %arg5[%get3A_23, %get3A_24] : memref<128x128xf32, #tpu.memory_space<vmem>>, vector<128x128xf32>
    %dot_general3A = arith.constant dense<0.000000e+00> : vector<1000x128xf32>
    %dot_general3A_26 = tpu.matmul %add3A_18, %get3A_25, %dot_general3A {dimension_numbers = #tpu.dot_dimension_numbers<[1], [1], [0], [0], [0, 0, 1, 0], [], []>, transpose_lhs_hint = false} : vector<1000x128xf32>, vector<128x128xf32>, vector<1000x128xf32> -> vector<1000x128xf32>
    %get3A_27 = arith.constant 0 : index
    %get3A_28 = arith.constant 0 : index
    %get3A_29 = vector.load %arg6[%get3A_27, %get3A_28] : memref<128x128xf32, #tpu.memory_space<vmem>>, vector<128x128xf32>
    %dot_general3A_30 = arith.constant dense<0.000000e+00> : vector<1000x128xf32>
    %dot_general3A_31 = tpu.matmul %add3A_22, %get3A_29, %dot_general3A_30 {dimension_numbers = #tpu.dot_dimension_numbers<[1], [1], [0], [0], [0, 0, 1, 0], [], []>, transpose_lhs_hint = false} : vector<1000x128xf32>, vector<128x128xf32>, vector<1000x128xf32> -> vector<1000x128xf32>
    %add3A_32 = arith.addf %dot_general3A_26, %dot_general3A_31 : vector<1000x128xf32>
    %swap3A = arith.constant 0 : index
    %swap3A_33 = arith.constant 0 : index
    %swap3A_34 = vector.load %arg7[%swap3A, %swap3A_33] : memref<1000x128xf32, #tpu.memory_space<vmem>>, vector<1000x128xf32>
    tpu.vector_store %arg7[%swap3A, %swap3A_33], %add3A_32 {strides = array<i32>} : memref<1000x128xf32, #tpu.memory_space<vmem>>, vector<1000x128xf32>,
    return
  }
  func.func @transform_0(%arg0: i32) -> (i32, i32) {
    %c0_i32 = arith.constant 0 : i32
    %c0_i32_0 = arith.constant 0 : i32
    return %arg0, %c0_i32 : i32, i32
  }
  func.func @transform_1(%arg0: i32) -> (i32, i32) {
    %c0_i32 = arith.constant 0 : i32
    %c0_i32_0 = arith.constant 0 : i32
    return %arg0, %c0_i32 : i32, i32
  }
  func.func @transform_2(%arg0: i32) -> (i32, i32) {
    %c0_i32 = arith.constant 0 : i32
    %c0_i32_0 = arith.constant 0 : i32
    return %arg0, %c0_i32 : i32, i32
  }
  func.func @transform_3(%arg0: i32) -> (i32, i32, i32) {
    %c0_i32 = arith.constant 0 : i32
    %c0_i32_0 = arith.constant 0 : i32
    %c0_i32_1 = arith.constant 0 : i32
    return %arg0, %c0_i32, %c0_i32_0 : i32, i32, i32
  }
  func.func @transform_4(%arg0: i32) -> (i32, i32) {
    %c0_i32 = arith.constant 0 : i32
    %c0_i32_0 = arith.constant 0 : i32
    %c0_i32_1 = arith.constant 0 : i32
    return %c0_i32, %c0_i32_0 : i32, i32
  }
  func.func @transform_5(%arg0: i32) -> (i32, i32) {
    %c0_i32 = arith.constant 0 : i32
    %c0_i32_0 = arith.constant 0 : i32
    %c0_i32_1 = arith.constant 0 : i32
    return %c0_i32, %c0_i32_0 : i32, i32
  }
  func.func @transform_6(%arg0: i32) -> (i32, i32) {
    %c0_i32 = arith.constant 0 : i32
    %c0_i32_0 = arith.constant 0 : i32
    return %arg0, %c0_i32 : i32, i32
  }
}

</mosaic_0001>

<sc_bundles>
// kernel: kernel.10.cloned.1.call-start
scs
__scs_entry_jumppad:
0x0: {  	(pc) =	sbr.rel $0x88, $3  }
0x1: {  	(tag) =	ssettag $0x0;
	lr =	simm.s32 $0x1  }
0x2: {  	[smem:$0x3F99] =	sst lr;
	_ =	strace $0xD0000000  }
0x3: {  	_ = 	snop  }
0x4: {  	_ = 	snop  }
0x5: {  	_ = 	snop  }
0x6: {  	_ = 	snop  }
0x7: {  	_ = 	snop  }
__scs_overlays_trampoline_lowered:
0x8: {  	[smem:$0x3FA8] =	sst s0  }
0x9: {  	[smem:$0x3FA9] =	sst s1  }
0xa: {  	[smem:$0x3FAA] =	sst s2  }
0xb: {  	[smem:$0x3FAB] =	sst s3  }
0xc: {  	[smem:$0x3FAC] =	sst s4  }
0xd: {  	[smem:$0x3FAD] =	sst s5  }
0xe: {  	[smem:$0x3FAE] =	sst s6  }
0xf: {  	[smem:$0x3FAF] =	sst s7  }
0x10: {  	[smem:$0x3FB0] =	sst s8  }
0x11: {  	[smem:$0x3FB1] =	sst s9;
	s0 =	simm.s32 @!p0 $0x0  }
0x12: {  	s1 =	sld [smem:$0x3F97];
	s0 =	simm.s32 @p0 $0x1  }
0x13: {  	[smem:$0x3FB2] =	sst s0;
	s0 =	simm.s32 @!p1 $0x0  }
0x14: {  	s2 =	sld [smem:$0x3F96];
	s0 =	simm.s32 @p1 $0x1  }
0x15: {  	[smem:$0x3FB3] =	sst s0;
	s0 =	simm.s32 @!p2 $0x0  }
0x16: {  	s3 =	sld [smem:$0x3FDB];
	s0 =	simm.s32 @p2 $0x1  }
0x17: {  	s4 =	simm.s32 $0x1BF5;
	[smem:$0x3FB5] =	sst s0  }
0x18: {  	s0 =	sld [smem:$0x3F98];
	_ =	swait.ge [sflag:s4], $0x0  }
0x19: {  	s7 =	sld [smem:$0x3F99]  }
0x1a: {  	s8 =	sadd.s32 $0xFFFFE003, lr  }
0x1b: {  	s9 =	sadd.s32 $0xFFFFFEF7, lr;
	s5 =	simm.s32 $0xFFFFFFFF;
	p2 =	slt.u32 s8, $0xFFFFF086  }
0x1c: {  	p1 =	slt.u32 s9, $0xF7A;
	s5 =	simm.s32 @!p2 $0x0  }
0x1d: {  	s5 =	simm.s32 @p1 $0x1;
	p0 =	seq.s32 s7, s2  }
0x1e: {  	s7 =	smul.u32 @!p0 $0xF7A, s2;
	p2 =	seq.s32 @!p0 s5, $0x0  }
0x1f: {  	s9 =	smul.u32 $0xF7A, s1;
	s8 =	simm.s32 @!p0 $0x1BF5;
	p2 =	por !p2, p0  }
0x20: {  	[sflag:s8] =	ssyncset.s32 @!p0 $0xFFFFF086;
	s6 =	sadd.s32 @!p0 s3, s7;
	s7 =	simm.s32 @!p0 $0x108  }
0x21: {  	s3 =	sadd.s32 s3, s9;
	s6 =	sadd.s32 @!p0 $0x88, s6;
	s7 =	simm.s32 @p2 $0x1082  }
0x22: {  	[simem:s7], [sflag:s8] =	dma.local @!p0 [hbm:s6], $0xF7A  }
0x23: {  	s9 =	sor.u32 $0xD0000000, s2;
	s6 =	simm.s32 $0x108;
	_ =	swait.ge @!p0 [sflag:s8], $0x0  }
0x24: {  	s3 =	sadd.s32 $0x88, s3;
	s6 =	simm.s32 @!p1 $0x1082;
	[sflag:s4] =	ssyncset.s32 $0xFFFFF086  }
0x25: {  	[simem:s6], [sflag:s4] =	dma.local [hbm:s3], $0xF7A  }
0x26: {  	[smem:$0x3F99] =	sst s1;
	(tag) =	ssettag s2;
	_ =	strace s9  }
0x27: {  	s1 =	sld [smem:$0x3FA9]  }
0x28: {  	s2 =	sld [smem:$0x3FAA]  }
0x29: {  	s4 =	sld [smem:$0x3FAC]  }
0x2a: {  	p0 =	seq.s32 s5, $0x0;
	s5 =	sld [smem:$0x3FAD]  }
0x2b: {  	s6 =	sld [smem:$0x3FAE]  }
0x2c: {  	s7 =	sld [smem:$0x3FAF]  }
0x2d: {  	s3 =	simm.s32 $0x108;
	s8 =	sld [smem:$0x3FB0]  }
0x2e: {  	s3 =	simm.s32 @!p0 $0x1082;
	s9 =	sld [smem:$0x3FB1]  }
0x2f: {  	lr =	sadd.s32 s0, s3;
	s0 =	sld [smem:$0x3FA8]  }
0x30: {  	s3 =	sld [smem:$0x3FAB]  }
0x31: {  	[smem:$0x3FB4] =	sst s10  }
0x32: {  	s10 =	sld [smem:$0x3FB2];
	_ =	sdelay $0x3  }
0x33: {  	p0 =	seq.s32 s10, $0x1;
	s10 =	sld [smem:$0x3FB4];
	_ =	sdelay $0x3  }
0x34: {  	[smem:$0x3FB4] =	sst s10  }
0x35: {  	s10 =	sld [smem:$0x3FB3];
	_ =	sdelay $0x3  }
0x36: {  	p1 =	seq.s32 s10, $0x1;
	s10 =	sld [smem:$0x3FB4];
	_ =	sdelay $0x3  }
0x37: {  	[smem:$0x3FB4] =	sst s10  }
0x38: {  	s10 =	sld [smem:$0x3FB5]  }
0x39: {  	_ = 	snop;
	(pc) =	sbr.ind lr, $3  }
0x3a: {  	_ = 	snop  }
0x3b: {  	_ = 	snop  }
0x3c: {  	p2 =	seq.s32 s10, $0x1;
	s10 =	sld [smem:$0x3FB4]  }
0x3d: {  	_ =	shalt  }
0x3e: {  	_ =	shalt  }
0x3f: {  	_ =	shalt  }
0x40: {  	_ =	shalt  }
0x41: {  	_ =	shalt  }
0x42: {  	_ =	shalt  }
0x43: {  	_ =	shalt  }
0x44: {  	_ =	shalt  }
0x45: {  	_ =	shalt  }
0x46: {  	_ =	shalt  }
0x47: {  	_ =	shalt  }
0x48: {  	_ =	shalt  }
0x49: {  	_ =	shalt  }
0x4a: {  	_ =	shalt  }
0x4b: {  	_ =	shalt  }
0x4c: {  	_ =	shalt  }
0x4d: {  	_ =	shalt  }
0x4e: {  	_ =	shalt  }
0x4f: {  	_ =	shalt  }
0x50: {  	_ =	shalt  }
0x51: {  	_ =	shalt  }
0x52: {  	_ =	shalt  }
0x53: {  	_ =	shalt  }
0x54: {  	_ =	shalt  }
0x55: {  	_ =	shalt  }
0x56: {  	_ =	shalt  }
0x57: {  	_ =	shalt  }
0x58: {  	_ =	shalt  }
0x59: {  	_ =	shalt  }
0x5a: {  	_ =	shalt  }
0x5b: {  	_ =	shalt  }
0x5c: {  	_ =	shalt  }
0x5d: {  	_ =	shalt  }
0x5e: {  	_ =	shalt  }
0x5f: {  	_ =	shalt  }
0x60: {  	_ =	shalt  }
0x61: {  	_ =	shalt  }
0x62: {  	_ =	shalt  }
0x63: {  	_ =	shalt  }
0x64: {  	_ =	shalt  }
0x65: {  	_ =	shalt  }
0x66: {  	_ =	shalt  }
0x67: {  	_ =	shalt  }
0x68: {  	_ =	shalt  }
0x69: {  	_ =	shalt  }
0x6a: {  	_ =	shalt  }
0x6b: {  	_ =	shalt  }
0x6c: {  	_ =	shalt  }
0x6d: {  	_ =	shalt  }
0x6e: {  	_ =	shalt  }
0x6f: {  	_ =	shalt  }
0x70: {  	_ =	shalt  }
0x71: {  	_ =	shalt  }
0x72: {  	_ =	shalt  }
0x73: {  	_ =	shalt  }
0x74: {  	_ =	shalt  }
0x75: {  	_ =	shalt  }
0x76: {  	_ =	shalt  }
0x77: {  	_ =	shalt  }
0x78: {  	_ =	shalt  }
0x79: {  	_ =	shalt  }
0x7a: {  	_ =	shalt  }
0x7b: {  	_ =	shalt  }
0x7c: {  	_ =	shalt  }
0x7d: {  	_ =	shalt  }
0x7e: {  	_ =	shalt  }
0x7f: {  	_ =	shalt  }
0x80: {  	_ =	shalt  }
0x81: {  	_ =	shalt  }
0x82: {  	_ =	shalt  }
0x83: {  	_ =	shalt  }
0x84: {  	_ =	shalt  }
0x85: {  	_ =	shalt  }
0x86: {  	_ =	shalt  }
0x87: {  	_ =	shalt  }
.Lfunc_end0:
.L_simem_size_0:
called_computation.1_lowered:
.L_overlay_start_0:
0x88: {  	s2 =	sld [smem:$0x3FD9]  }
0x89: {  	s3 =	sld [smem:$0x3FFE];
	_ =	sdelay $0x1  }
0x8a: {  	s1 =	srdreg.scid  }
0x8b: {  	s0 =	sand.u32 $0x1, s1  }
0x8c: {  	s16 =	sshll.u32 s0, $0xA;
	s2 =	sadd.s32 s3, s2  }
0x8d: {  	s2 =	sadd.s32 s2, s16  }
0x8e: {  	[smem:$0x3FC0] =	sst s2  }
0x8f: {  	_ = 	snop  }
0x90: {  	(tm) =	ssettm $0x1  }
0x91: {  	s17 =	sld [smem:$0x3FFB];
	_ =	sdelay $0x3  }
0x92: {  	_ =	strace s17  }
0x93: {  	s2 =	sld [smem:$0x3FFC];
	_ =	sdelay $0x3  }
0x94: {  	_ =	strace s2  }
0x95: {  	s2 =	sld [smem:$0x3FFD];
	_ =	sdelay $0x3  }
0x96: {  	_ =	strace s2  }
0x97: {  	_ =	strace $0x8FFFFFFF  }
0x98: {  	s18 =	sld [smem:$0x3FDB];
	_ =	sdelay $0x1  }
0x99: {  	s19 =	simm.s32 $_scs_section_size  }
0x9a: {  	s4 =	simm.s32 $_size__tile_overlayer_lowered;
	s5 =	simm.s32 $_tile_overlayer_lowered  }
0x9b: {  	s22 =	simm.s32 $0x1BFF;
	s21 =	sshll.u32 s5, $0x1;
	s2 =	sadd.s32 s19, s18  }
0x9c: {  	s6 =	simm.s32 $0x0;
	s20 =	sshll.u32 s4, $0x1;
	s4 =	sadd.s32 s21, s2  }
0x9d: {  	[timem:s6], [sflag:s22] =	dma.local [hbm:s4], s20  }
0x9e: {  	_ =	swait.ge [sflag:s22], s20  }
0x9f: {  	s3 =	ssub.s32 $0x0, s20;
	[sflag:s22] =	ssyncset.done $0x0  }
0xa0: {  	[sflag:s22] =	ssyncadd.s32 s3;
	_ =	sdelay $0x1  }
0xa1: {  	s23 =	simm.s32 $0x1B8B  }
0xa2: {  	_ =	swait.ge [sflag:s23], $0x1  }
0xa3: {  	[sflag:s23] =	ssyncset.done $0x0  }
0xa4: {  	s25 =	simm.s32 $0x1B8E;
	s24 =	sld [smem:$0x3FFE];
	[sflag:s23] =	ssyncadd.s32 $0xFFFFFFFF  }
0xa5: {  	s26 =	simm.s32 $execute0_lowered;
	[smem:$0x3FD2] =	sst s25  }
0xa6: {  	s4 =	sshll.u32 s26, $0x1;
	_ =	strace $0x80000049;
	[dreg:$0x1] =	wrdreg $0xFFFFFFFF  }
0xa7: {  	s28 =	simm.s32 $_size_execute0_lowered;
	s2 =	sadd.s32 s2, s4;
	[dreg:$0x0] =	wrdreg $0x0  }
0xa8: {  	s4 =	sshll.u32 s28, $0x1;
	[dreg:$0x2] =	wrdreg s2  }
0xa9: {  	[dreg:$0x3] =	wrdreg s4  }
0xaa: {  	[dreg:$0x4] =	wrdreg $0xC0  }
0xab: {  	_ =	task [dreg:s6], $0x5FFFF  }
0xac: {  	[dreg:$0x1] =	wrdreg $0xFFFFFFFF  }
0xad: {  	[dreg:$0x0] =	wrdreg $0x60  }
0xae: {  	[dreg:$0x2] =	wrdreg s24  }
0xaf: {  	[dreg:$0x3] =	wrdreg $0x51000  }
0xb0: {  	[dreg:$0x4] =	wrdreg $0x9  }
0xb1: {  	_ =	task.clear_ibuf [dreg:s6], $0x5FFFF;
	_ =	strace $0x90000049  }
0xb2: {  	s29 =	simm.s32 $0x9;
	_ =	strace $0x8000004B  }
0xb3: {  	_ =	swait.ge [sflag:s29], $0x1  }
0xb4: {  	[sflag:s29] =	ssyncadd.s32 $0xFFFFFFFF  }
0xb5: {  	_ =	strace $0x9000004B  }
0xb6: {  	_ =	sfence  }
0xb7: {  	s30 =	sld [smem:$0x0];
	_ =	sdelay $0x2  }
0xb8: {  	s31 =	sshll.u32 s1, $0xD;
	s1 =	sshrl.u32 s1, $0x2  }
0xb9: {  	s3 =	sand.u32 $0x4000, s31;
	s1 =	sadd.s32 s1, s30  }
0xba: {  	s0 =	sor.u32 s3, s0;
	s1 =	sshll.u32 s1, $0x11  }
0xbb: {  	s0 =	sor.u32 s1, s0  }
0xbc: {  	s0 =	sadd.s32 $0x8F2B, s0  }
0xbd: {  	[sflag:s0] =	ssyncadd.remote.s32 $0x1  }
0xbe: {  	_ =	sfence.sel $0xFFFF  }
0xbf: {  	[dreg:$0x0] =	wrdreg $0xFFFFFFFF;
	(pc) =	sbr.abs _section_cstart, $3  }
0xc0: {  	[dreg:$0x1] =	wrdreg $0xFFFFFFFF  }
0xc1: {  	_ =	task.clear_ibuf [dreg:s6], $0x2FFFF;
	_ =	strace $0x9FFFFFFF  }
0xc2: {  	(tm) =	ssettm $0x7FFFFFFF  }
0xc3: {  	_ =	shalt  }
tec
execute0_lowered:
.L_overlay_start_1:
0x0: {  	(tag) =	ssettag $0x1  }
0x1: {  	s9 =	rddreg [dreg:$0x0]  }
0x2: {  	s1 =	rddreg [dreg:$0x1]  }
0x3: {  	s0 =	rddreg [dreg:$0x2];
	s2 =	simm.s32 $0x0;
	s3 =	srdreg.scid  }
0x4: {  	s21 =	simm.s32 $0x2;
	s22 =	simm.s32 $0x80;
	s23 =	simm.s32 $0x50  }
0x5: {  	s24 =	simm.s32 $0x1;
	s25 =	simm.s32 $0x100;
	s26 =	simm.s32 $0x0  }
0x6: {  	[smem:$0x7FF] =	sst s2;
	s18 =	sand.u32 $0x1, s3;
	s3 =	stileid.u32  }
0x7: {  	s4 =	sadd.s32 $0x3D200, s9;
	s5 =	sadd.s32 $0x16000, s9;
	s10 =	smul.u32 $0x140000, s18  }
0x8: {  	s6 =	sadd.s32 $0x2400, s9;
	s7 =	sadd.s32 $0xC200, s9;
	s11 =	smul.u32 $0x14000, s3  }
0x9: {  	s8 =	sadd.s32 $0x64400, s9;
	_ =	strace $0x8000004A;
	s12 =	smul.u32 $0x50000, s3  }
0xa: {  	s31 =	ssub.s32 $0x2, s18;
	s17 =	smul.u32 $0x4E20, s3;
	s10 =	sadd.s32 s11, s10  }
0xb: {  	s13 =	sshrl.u32 s31, $0x1;
	s12 =	sshrl.u32 s12, $0x2;
	s10 =	sshrl.u32 s10, $0x3  }
.Ltmp0:
0xc: {  	s19 =	sadd.s32 s10, s9;
	s9 =	sadd.s32 s12, s1;
	(pc) =	sbr.rel .LBB2_1-.Ltmp0, $4  }
0xd: {  	p0 =	seq.s32 s18, $0x1;
	s20 =	ssub.s32 s31, s13;
	s10 =	sadd.s32 $0x2800, s9  }
0xe: {  	s11 =	sadd.s32 $0x5000, s9;
	s12 =	sadd.s32 $0x7800, s9;
	s13 =	sadd.s32 $0xA000, s9  }
0xf: {  	s14 =	sadd.s32 $0xC800, s9;
	s15 =	sadd.s32 $0xF000, s9;
	s16 =	sadd.s32 $0x11800, s9  }
0x10: {  	v0 =	vimm.f32 $0.0e+00;
	s18 =	sadd.s32 $0x546400, s19;
	s19 =	smax.u32 s20, $0x1;
	s20 =	simm.s32 $0x2900  }
.LBB2_10:
0x11: {  	s26 =	sadd.s32 $0x1, s26  }
0x12: {  	s28 =	sshll.u32 s3, $0x6;
	[bflag:$0x0] =	sbarrier.arrive $0xFFFF;
	p1 =	sne.s32 s26, s19  }
.Ltmp1:
0x13: {  	s29 =	sshrl.u32 s9, $0x3;
	s28 =	sor.u32 $0x1C02, s28;
	(pc) =	sbr.rel @!p1 .LBB2_11-.Ltmp1, $4  }
0x14: {  	[hbm:s18], [sflag:s28] =	dma.local [spmem:s29], $0x2800  }
0x15: {  	_ =	swait.ge [sflag:s21], $0x2800  }
0x16: {  	[sflag:s21] =	ssyncset.done $0x0  }
0x17: {  	[sflag:s21] =	ssyncadd.s32 $0xFFFFD800  }
.LBB2_1:
0x18: {  	s28 =	simm.s32 $0x0;
	s29 =	simm.s32 $0x200  }
.LBB2_2:
0x19: {  	p1 =	sne.s32 s29, $0x9E00;
	[tilespmem:s28+$0x2970] =	vst v0  }
0x1a: {  	[tilespmem:s28+$0x2900] =	vst v0  }
0x1b: {  	[tilespmem:s28+$0x2910] =	vst v0  }
.Ltmp2:
0x1c: {  	[tilespmem:s28+$0x2920] =	vst v0;
	(pc) =	sbr.rel @p1 .LBB2_2-.Ltmp2, $4  }
0x1d: {  	[tilespmem:s28+$0x2930] =	vst v0  }
0x1e: {  	[tilespmem:s28+$0x2940] =	vst v0  }
0x1f: {  	[tilespmem:s28+$0x2950] =	vst v0  }
0x20: {  	[tilespmem:s28+$0x2960] =	vst v0;
	s28 =	sshra.s32 s29, $0x2;
	s29 =	sadd.s32 $0x200, s29  }
0x21: {  	[tilespmem:s28+$0x2970] =	vst v0  }
0x22: {  	[tilespmem:s28+$0x2900] =	vst v0  }
0x23: {  	[tilespmem:s28+$0x2910] =	vst v0  }
0x24: {  	[tilespmem:s28+$0x2920] =	vst v0  }
0x25: {  	[tilespmem:s28+$0x2930] =	vst v0  }
0x26: {  	[tilespmem:s28+$0x2940] =	vst v0  }
0x27: {  	[tilespmem:s28+$0x2950] =	vst v0  }
0x28: {  	[tilespmem:s28+$0x2960] =	vst v0  }
0x29: {  	[spmem:s9] =	stream.linear.scatter [tilespmem:s20], [sflag:$0x2], $0x2800, $0x38;
	[tilespmem:$0x19100] =	vst v63  }
0x2a: {  	_ =	swait.ge [sflag:s21], $0x2800  }
0x2b: {  	[sflag:s21] =	ssyncset.done $0x0  }
0x2c: {  	[sflag:s21] =	ssyncadd.s32 $0xFFFFD800  }
0x2d: {  	[spmem:s10] =	stream.linear.scatter [tilespmem:s20], [sflag:$0x2], $0x2800, $0x38;
	[tilespmem:$0x19100] =	vst v63  }
0x2e: {  	_ =	swait.ge [sflag:s21], $0x2800  }
0x2f: {  	[sflag:s21] =	ssyncset.done $0x0  }
0x30: {  	[sflag:s21] =	ssyncadd.s32 $0xFFFFD800  }
0x31: {  	[spmem:s11] =	stream.linear.scatter [tilespmem:s20], [sflag:$0x2], $0x2800, $0x38;
	[tilespmem:$0x19100] =	vst v63  }
0x32: {  	_ =	swait.ge [sflag:s21], $0x2800  }
0x33: {  	[sflag:s21] =	ssyncset.done $0x0  }
0x34: {  	[sflag:s21] =	ssyncadd.s32 $0xFFFFD800  }
0x35: {  	[spmem:s12] =	stream.linear.scatter [tilespmem:s20], [sflag:$0x2], $0x2800, $0x38;
	[tilespmem:$0x19100] =	vst v63  }
0x36: {  	_ =	swait.ge [sflag:s21], $0x2800  }
0x37: {  	[sflag:s21] =	ssyncset.done $0x0  }
0x38: {  	[sflag:s21] =	ssyncadd.s32 $0xFFFFD800  }
0x39: {  	[spmem:s13] =	stream.linear.scatter [tilespmem:s20], [sflag:$0x2], $0x2800, $0x38;
	[tilespmem:$0x19100] =	vst v63  }
0x3a: {  	_ =	swait.ge [sflag:s21], $0x2800  }
0x3b: {  	[sflag:s21] =	ssyncset.done $0x0  }
0x3c: {  	[sflag:s21] =	ssyncadd.s32 $0xFFFFD800  }
0x3d: {  	[spmem:s14] =	stream.linear.scatter [tilespmem:s20], [sflag:$0x2], $0x2800, $0x38;
	[tilespmem:$0x19100] =	vst v63  }
0x3e: {  	_ =	swait.ge [sflag:s21], $0x2800  }
0x3f: {  	[sflag:s21] =	ssyncset.done $0x0  }
0x40: {  	[sflag:s21] =	ssyncadd.s32 $0xFFFFD800  }
0x41: {  	[spmem:s15] =	stream.linear.scatter [tilespmem:s20], [sflag:$0x2], $0x2800, $0x38;
	[tilespmem:$0x19100] =	vst v63  }
0x42: {  	_ =	swait.ge [sflag:s21], $0x2800  }
0x43: {  	[sflag:s21] =	ssyncset.done $0x0  }
0x44: {  	[sflag:s21] =	ssyncadd.s32 $0xFFFFD800  }
0x45: {  	[spmem:s16] =	stream.linear.scatter [tilespmem:s20], [sflag:$0x2], $0x2800, $0x38;
	[tilespmem:$0x19100] =	vst v63  }
.Ltmp3:
0x46: {  	_ =	swait.ge [sflag:s21], $0x2800;
	(pc) =	sbr.rel .LBB2_4-.Ltmp3, $4  }
0x47: {  	[sflag:s21] =	ssyncset.done $0x0  }
0x48: {  	[sflag:s21] =	ssyncadd.s32 $0xFFFFD800  }
0x49: {  	[bflag:$0x0] =	sbarrier.arrive $0xFFFF  }
0x4a: {  	s28 =	simm.s32 $0x0  }
.LBB2_5:
0x4b: {  	[tilespmem:s20], [sflag:$0x1] =	stream.indirect.gather [hbm4b:s4+s23], $0x80, s2, s23, $0xb8;
	[tilespmem:$0x19100] =	vst v63  }
0x4c: {  	_ =	swait.ge [sflag:s24], $0x2800  }
0x4d: {  	[sflag:s24] =	ssyncset.done $0x0  }
0x4e: {  	[sflag:s24] =	ssyncadd.s32 $0xFFFFD800  }
.LBB2_9:
0x4f: {  	s28 =	sadd.s32 $0x1, s28  }
0x50: {  	p1 =	sne.s32 s28, $0xFA  }
.Ltmp4:
0x51: {  	_ = 	snop;
	(pc) =	sbr.rel @!p1 .LBB2_10-.Ltmp4, $4  }
0x52: {  	[spmem:s1] =	stream.indirect.scatter.add.f32 [tilespmem:s20], [sflag:$0x2], $0x80, s22, s23, $0xb8;
	[tilespmem:$0x19100] =	vst v63  }
0x53: {  	_ =	swait.ge [sflag:s21], $0x2800  }
0x54: {  	[sflag:s21] =	ssyncset.done $0x0  }
0x55: {  	[sflag:s21] =	ssyncadd.s32 $0xFFFFD800  }
.LBB2_4:
0x56: {  	s29 =	smul.u32 $0x50, s28;
	_ =	sdelay $0x1  }
0x57: {  	s29 =	sadd.s32 s17, s29  }
0x58: {  	s30 =	sshrl.u32 s29, $0x3  }
0x59: {  	s31 =	sadd.s32 s6, s30  }
0x5a: {  	[tilespmem:s2], [sflag:$0x2] =	stream.linear.gather [hbm4b:s31+s2], $0x50, $0x38;
	[tilespmem:$0x19100] =	vst v63  }
0x5b: {  	_ =	swait.ge [sflag:s21], $0x50  }
0x5c: {  	[sflag:s21] =	ssyncset.done $0x0  }
.Ltmp5:
0x5d: {  	s30 =	sadd.s32 s7, s30;
	[sflag:s21] =	ssyncadd.s32 $0xFFFFFFB0;
	(pc) =	sbr.rel @!p0 .LBB2_5-.Ltmp5, $4  }
0x5e: {  	[tilespmem:s22], [sflag:$0x2] =	stream.linear.gather [hbm4b:s30+s2], $0x50, $0x38;
	[tilespmem:$0x19100] =	vst v63  }
0x5f: {  	_ =	swait.ge [sflag:s21], $0x50  }
0x60: {  	[sflag:s21] =	ssyncset.done $0x0  }
0x61: {  	[sflag:s21] =	ssyncadd.s32 $0xFFFFFFB0  }
0x62: {  	s30 =	simm.s32 $0x0  }
0x63: {  	[tilespmem:s20], [sflag:$0x1] =	stream.indirect.gather [hbm4b:s5+s23], $0x80, s30, s23, $0xb8;
	[tilespmem:$0x19100] =	vst v63  }
0x64: {  	_ =	swait.ge [sflag:s24], $0x2800  }
0x65: {  	s29 =	sshll.u32 s29, $0x4;
	[sflag:s24] =	ssyncset.done $0x0  }
0x66: {  	s29 =	sadd.s32 s8, s29;
	[sflag:s24] =	ssyncadd.s32 $0xFFFFD800  }
0x67: {  	[tilespmem:s25], [sflag:$0x2] =	stream.linear.gather [hbm4b:s29+s30], $0x2800, $0x38;
	[tilespmem:$0x19100] =	vst v63  }
0x68: {  	_ =	swait.ge [sflag:s21], $0x2800  }
0x69: {  	[sflag:s21] =	ssyncset.done $0x0  }
0x6a: {  	s29 =	simm.s32 $0x0;
	[sflag:s21] =	ssyncadd.s32 $0xFFFFD800  }
0x6b: {  	v1 =	vld [tilespmem:s29+$0x100]  }
0x6c: {  	v5 =	vld [tilespmem:s29+$0x2900]  }
0x6d: {  	v7 =	vld [tilespmem:s29+$0x2910]  }
0x6e: {  	v6 =	vld [tilespmem:s29+$0x2920]  }
0x6f: {  	v4 =	vld [tilespmem:s29+$0x2930]  }
0x70: {  	v2 =	vld [tilespmem:s29+$0x2940]  }
0x71: {  	v3 =	vld [tilespmem:s29+$0x2950];
	v8 =	vmul.f32 v5, v1  }
0x72: {  	s30 =	simm.s32 $0x200;
	v7 =	vmul.f32 v7, v1;
	v5 =	vld [tilespmem:s29+$0x2960]  }
.LBB2_7:
0x73: {  	s31 =	sshra.s32 s30, $0x2;
	p1 =	sne.s32 s30, $0x9E00;
	[tilespmem:s29+$0x2900] =	vst v8;
	v6 =	vmul.f32 v6, v1;
	v8 =	vld [tilespmem:s29+$0x2970]  }
0x74: {  	v9 =	vld [tilespmem:s31+$0x100];
	[tilespmem:s29+$0x2910] =	vst v7;
	v4 =	vmul.f32 v4, v1  }
0x75: {  	v7 =	vld [tilespmem:s31+$0x2900];
	[tilespmem:s29+$0x2920] =	vst v6;
	v2 =	vmul.f32 v2, v1  }
0x76: {  	v10 =	vld [tilespmem:s31+$0x2910];
	[tilespmem:s29+$0x2930] =	vst v4;
	v3 =	vmul.f32 v3, v1  }
.Ltmp6:
0x77: {  	v6 =	vld [tilespmem:s31+$0x2920];
	[tilespmem:s29+$0x2940] =	vst v2;
	v5 =	vmul.f32 v5, v1;
	(pc) =	sbr.rel @p1 .LBB2_7-.Ltmp6, $4  }
0x78: {  	v4 =	vld [tilespmem:s31+$0x2930];
	[tilespmem:s29+$0x2950] =	vst v3;
	v11 =	vmul.f32 v8, v1  }
0x79: {  	v2 =	vld [tilespmem:s31+$0x2940];
	[tilespmem:s29+$0x2960] =	vst v5;
	v1 =	vmov v9  }
0x7a: {  	v8 =	vmul.f32 v7, v1;
	v3 =	vld [tilespmem:s31+$0x2950];
	[tilespmem:s29+$0x2970] =	vst v11;
	s29 =	smov.u32 s31  }
0x7b: {  	s30 =	sadd.s32 $0x200, s30;
	v7 =	vmul.f32 v10, v1;
	v5 =	vld [tilespmem:s29+$0x2960]  }
0x7c: {  	[tilespmem:s29+$0x2900] =	vst v8;
	v6 =	vmul.f32 v6, v1;
	v63 =	vld [tilespmem:s29+$0x2970]  }
0x7d: {  	[tilespmem:s29+$0x2910] =	vst v7;
	v4 =	vmul.f32 v4, v1  }
0x7e: {  	[tilespmem:s29+$0x2920] =	vst v6;
	v2 =	vmul.f32 v2, v1  }
.Ltmp7:
0x7f: {  	[tilespmem:s29+$0x2930] =	vst v4;
	v3 =	vmul.f32 v3, v1;
	(pc) =	sbr.rel .LBB2_9-.Ltmp7, $4  }
0x80: {  	[tilespmem:s29+$0x2940] =	vst v2;
	v2 =	vmul.f32 v5, v1  }
0x81: {  	[tilespmem:s29+$0x2950] =	vst v3;
	v1 =	vmul.f32 v63, v1  }
0x82: {  	[tilespmem:s29+$0x2960] =	vst v2  }
0x83: {  	[tilespmem:s29+$0x2970] =	vst v1  }
.LBB2_11:
0x84: {  	_ =	sfence.sel $0x180000  }
0x85: {  	[bflag:$0x0] =	sbarrier.arrive $0xFFFF  }
0x86: {  	p0 =	sne.s32 s3, $0x0;
	_ =	strace $0x9000004A  }
0x87: {  	s0 =	sadd.s32 @!p0 $0x100000, s0;
	[bflag:$0x2] =	sbarrier.arrive $0xFFFF  }
0x88: {  	[sflag:s0] =	ssyncadd.tile.s32 @!p0 $0x1;
	_ =	shalt  }
.Lfunc_end2:
_tile_overlayer_lowered:
.L_overlay_start_2:
0x89: {  	(tag) =	ssettag $0x2  }
0x8a: {  	s0 =	rddreg [dreg:$0x0];
	s2 =	stileid.u32  }
0x8b: {  	s1 =	rddreg [dreg:$0x1];
	p0 =	sne.s32 s2, $0x0  }
0x8c: {  	s3 =	rddreg [dreg:$0x2];
	[bflag:$0x3] =	sbarrier.arrive $0xFFFF;
	s2 =	simm.s32 @!p0 $0x1C02  }
0x8d: {  	[timem:s3], [sflag:s2] =	dma.local @!p0 [hbm:s0], s1  }
0x8e: {  	s0 =	simm.s32 @!p0 $0x2  }
0x8f: {  	_ =	swait.ge @!p0 [sflag:s0], s1  }
0x90: {  	s1 =	ssub.s32 @!p0 $0x0, s1;
	[sflag:s0] =	ssyncset.done @!p0 $0x0  }
0x91: {  	[sflag:s0] =	ssyncadd.s32 @!p0 s1  }
0x92: {  	[bflag:$0x3] =	sbarrier.arrive $0xFFFF  }
0x93: {  	_ =	shalt  }

// kernel: kernel.7.cloned.1.call-start
scs
__scs_entry_jumppad:
0x0: {  	(pc) =	sbr.rel $0x88, $3  }
0x1: {  	(tag) =	ssettag $0x0;
	lr =	simm.s32 $0x1  }
0x2: {  	[smem:$0x3F99] =	sst lr;
	_ =	strace $0xD0000000  }
0x3: {  	_ = 	snop  }
0x4: {  	_ = 	snop  }
0x5: {  	_ = 	snop  }
0x6: {  	_ = 	snop  }
0x7: {  	_ = 	snop  }
__scs_overlays_trampoline_lowered:
0x8: {  	[smem:$0x3FA8] =	sst s0  }
0x9: {  	[smem:$0x3FA9] =	sst s1  }
0xa: {  	[smem:$0x3FAA] =	sst s2  }
0xb: {  	[smem:$0x3FAB] =	sst s3  }
0xc: {  	[smem:$0x3FAC] =	sst s4  }
0xd: {  	[smem:$0x3FAD] =	sst s5  }
0xe: {  	[smem:$0x3FAE] =	sst s6  }
0xf: {  	[smem:$0x3FAF] =	sst s7  }
0x10: {  	[smem:$0x3FB0] =	sst s8  }
0x11: {  	[smem:$0x3FB1] =	sst s9;
	s0 =	simm.s32 @!p0 $0x0  }
0x12: {  	s1 =	sld [smem:$0x3F97];
	s0 =	simm.s32 @p0 $0x1  }
0x13: {  	[smem:$0x3FB2] =	sst s0;
	s0 =	simm.s32 @!p1 $0x0  }
0x14: {  	s2 =	sld [smem:$0x3F96];
	s0 =	simm.s32 @p1 $0x1  }
0x15: {  	[smem:$0x3FB3] =	sst s0;
	s0 =	simm.s32 @!p2 $0x0  }
0x16: {  	s3 =	sld [smem:$0x3FDB];
	s0 =	simm.s32 @p2 $0x1  }
0x17: {  	s4 =	simm.s32 $0x1BF5;
	[smem:$0x3FB5] =	sst s0  }
0x18: {  	s0 =	sld [smem:$0x3F98];
	_ =	swait.ge [sflag:s4], $0x0  }
0x19: {  	s7 =	sld [smem:$0x3F99]  }
0x1a: {  	s8 =	sadd.s32 $0xFFFFE003, lr  }
0x1b: {  	s9 =	sadd.s32 $0xFFFFFEF7, lr;
	s5 =	simm.s32 $0xFFFFFFFF;
	p2 =	slt.u32 s8, $0xFFFFF086  }
0x1c: {  	p1 =	slt.u32 s9, $0xF7A;
	s5 =	simm.s32 @!p2 $0x0  }
0x1d: {  	s5 =	simm.s32 @p1 $0x1;
	p0 =	seq.s32 s7, s2  }
0x1e: {  	s7 =	smul.u32 @!p0 $0xF7A, s2;
	p2 =	seq.s32 @!p0 s5, $0x0  }
0x1f: {  	s9 =	smul.u32 $0xF7A, s1;
	s8 =	simm.s32 @!p0 $0x1BF5;
	p2 =	por !p2, p0  }
0x20: {  	[sflag:s8] =	ssyncset.s32 @!p0 $0xFFFFF086;
	s6 =	sadd.s32 @!p0 s3, s7;
	s7 =	simm.s32 @!p0 $0x108  }
0x21: {  	s3 =	sadd.s32 s3, s9;
	s6 =	sadd.s32 @!p0 $0x88, s6;
	s7 =	simm.s32 @p2 $0x1082  }
0x22: {  	[simem:s7], [sflag:s8] =	dma.local @!p0 [hbm:s6], $0xF7A  }
0x23: {  	s9 =	sor.u32 $0xD0000000, s2;
	s6 =	simm.s32 $0x108;
	_ =	swait.ge @!p0 [sflag:s8], $0x0  }
0x24: {  	s3 =	sadd.s32 $0x88, s3;
	s6 =	simm.s32 @!p1 $0x1082;
	[sflag:s4] =	ssyncset.s32 $0xFFFFF086  }
0x25: {  	[simem:s6], [sflag:s4] =	dma.local [hbm:s3], $0xF7A  }
0x26: {  	[smem:$0x3F99] =	sst s1;
	(tag) =	ssettag s2;
	_ =	strace s9  }
0x27: {  	s1 =	sld [smem:$0x3FA9]  }
0x28: {  	s2 =	sld [smem:$0x3FAA]  }
0x29: {  	s4 =	sld [smem:$0x3FAC]  }
0x2a: {  	p0 =	seq.s32 s5, $0x0;
	s5 =	sld [smem:$0x3FAD]  }
0x2b: {  	s6 =	sld [smem:$0x3FAE]  }
0x2c: {  	s7 =	sld [smem:$0x3FAF]  }
0x2d: {  	s3 =	simm.s32 $0x108;
	s8 =	sld [smem:$0x3FB0]  }
0x2e: {  	s3 =	simm.s32 @!p0 $0x1082;
	s9 =	sld [smem:$0x3FB1]  }
0x2f: {  	lr =	sadd.s32 s0, s3;
	s0 =	sld [smem:$0x3FA8]  }
0x30: {  	s3 =	sld [smem:$0x3FAB]  }
0x31: {  	[smem:$0x3FB4] =	sst s10  }
0x32: {  	s10 =	sld [smem:$0x3FB2];
	_ =	sdelay $0x3  }
0x33: {  	p0 =	seq.s32 s10, $0x1;
	s10 =	sld [smem:$0x3FB4];
	_ =	sdelay $0x3  }
0x34: {  	[smem:$0x3FB4] =	sst s10  }
0x35: {  	s10 =	sld [smem:$0x3FB3];
	_ =	sdelay $0x3  }
0x36: {  	p1 =	seq.s32 s10, $0x1;
	s10 =	sld [smem:$0x3FB4];
	_ =	sdelay $0x3  }
0x37: {  	[smem:$0x3FB4] =	sst s10  }
0x38: {  	s10 =	sld [smem:$0x3FB5]  }
0x39: {  	_ = 	snop;
	(pc) =	sbr.ind lr, $3  }
0x3a: {  	_ = 	snop  }
0x3b: {  	_ = 	snop  }
0x3c: {  	p2 =	seq.s32 s10, $0x1;
	s10 =	sld [smem:$0x3FB4]  }
0x3d: {  	_ =	shalt  }
0x3e: {  	_ =	shalt  }
0x3f: {  	_ =	shalt  }
0x40: {  	_ =	shalt  }
0x41: {  	_ =	shalt  }
0x42: {  	_ =	shalt  }
0x43: {  	_ =	shalt  }
0x44: {  	_ =	shalt  }
0x45: {  	_ =	shalt  }
0x46: {  	_ =	shalt  }
0x47: {  	_ =	shalt  }
0x48: {  	_ =	shalt  }
0x49: {  	_ =	shalt  }
0x4a: {  	_ =	shalt  }
0x4b: {  	_ =	shalt  }
0x4c: {  	_ =	shalt  }
0x4d: {  	_ =	shalt  }
0x4e: {  	_ =	shalt  }
0x4f: {  	_ =	shalt  }
0x50: {  	_ =	shalt  }
0x51: {  	_ =	shalt  }
0x52: {  	_ =	shalt  }
0x53: {  	_ =	shalt  }
0x54: {  	_ =	shalt  }
0x55: {  	_ =	shalt  }
0x56: {  	_ =	shalt  }
0x57: {  	_ =	shalt  }
0x58: {  	_ =	shalt  }
0x59: {  	_ =	shalt  }
0x5a: {  	_ =	shalt  }
0x5b: {  	_ =	shalt  }
0x5c: {  	_ =	shalt  }
0x5d: {  	_ =	shalt  }
0x5e: {  	_ =	shalt  }
0x5f: {  	_ =	shalt  }
0x60: {  	_ =	shalt  }
0x61: {  	_ =	shalt  }
0x62: {  	_ =	shalt  }
0x63: {  	_ =	shalt  }
0x64: {  	_ =	shalt  }
0x65: {  	_ =	shalt  }
0x66: {  	_ =	shalt  }
0x67: {  	_ =	shalt  }
0x68: {  	_ =	shalt  }
0x69: {  	_ =	shalt  }
0x6a: {  	_ =	shalt  }
0x6b: {  	_ =	shalt  }
0x6c: {  	_ =	shalt  }
0x6d: {  	_ =	shalt  }
0x6e: {  	_ =	shalt  }
0x6f: {  	_ =	shalt  }
0x70: {  	_ =	shalt  }
0x71: {  	_ =	shalt  }
0x72: {  	_ =	shalt  }
0x73: {  	_ =	shalt  }
0x74: {  	_ =	shalt  }
0x75: {  	_ =	shalt  }
0x76: {  	_ =	shalt  }
0x77: {  	_ =	shalt  }
0x78: {  	_ =	shalt  }
0x79: {  	_ =	shalt  }
0x7a: {  	_ =	shalt  }
0x7b: {  	_ =	shalt  }
0x7c: {  	_ =	shalt  }
0x7d: {  	_ =	shalt  }
0x7e: {  	_ =	shalt  }
0x7f: {  	_ =	shalt  }
0x80: {  	_ =	shalt  }
0x81: {  	_ =	shalt  }
0x82: {  	_ =	shalt  }
0x83: {  	_ =	shalt  }
0x84: {  	_ =	shalt  }
0x85: {  	_ =	shalt  }
0x86: {  	_ =	shalt  }
0x87: {  	_ =	shalt  }
.Lfunc_end0:
.L_simem_size_0:
called_computation_lowered:
.L_overlay_start_0:
0x88: {  	s2 =	sld [smem:$0x3FD9]  }
0x89: {  	s3 =	sld [smem:$0x3FFE];
	_ =	sdelay $0x1  }
0x8a: {  	s1 =	srdreg.scid  }
0x8b: {  	s0 =	sand.u32 $0x1, s1  }
0x8c: {  	s17 =	sshll.u32 s0, $0xA;
	s2 =	sadd.s32 s3, s2  }
0x8d: {  	s2 =	sadd.s32 s2, s17  }
0x8e: {  	[smem:$0x3FC0] =	sst s2  }
0x8f: {  	_ = 	snop  }
0x90: {  	s2 =	sld [smem:$0x3FD0];
	(tm) =	ssettm $0x1  }
0x91: {  	s18 =	sld [smem:$0x3FFB];
	_ =	sdelay $0x3  }
0x92: {  	_ =	strace s18  }
0x93: {  	s3 =	sld [smem:$0x3FFC];
	_ =	sdelay $0x3  }
0x94: {  	_ =	strace s3  }
0x95: {  	s3 =	sld [smem:$0x3FFD];
	_ =	sdelay $0x3  }
0x96: {  	_ =	strace s3  }
0x97: {  	_ =	strace $0x8FFFFFFF  }
0x98: {  	s19 =	sld [smem:$0x3FDB];
	_ =	sdelay $0x1  }
0x99: {  	s4 =	simm.s32 $_scs_section_size  }
0x9a: {  	s5 =	simm.s32 $_size__tile_overlayer_lowered;
	s6 =	simm.s32 $_tile_overlayer_lowered  }
0x9b: {  	s22 =	simm.s32 $0x1BFF;
	s21 =	sshll.u32 s6, $0x1;
	s3 =	sadd.s32 s4, s19  }
0x9c: {  	s7 =	simm.s32 $0x0;
	s20 =	sshll.u32 s5, $0x1;
	s5 =	sadd.s32 s21, s3  }
0x9d: {  	[timem:s7], [sflag:s22] =	dma.local [hbm:s5], s20  }
0x9e: {  	_ =	swait.ge [sflag:s22], s20  }
0x9f: {  	s4 =	ssub.s32 $0x0, s20;
	[sflag:s22] =	ssyncset.done $0x0  }
0xa0: {  	[sflag:s22] =	ssyncadd.s32 s4;
	_ =	sdelay $0x1  }
0xa1: {  	s23 =	simm.s32 $0x1B8B  }
0xa2: {  	_ =	swait.ge [sflag:s23], $0x1  }
0xa3: {  	[sflag:s23] =	ssyncset.done $0x0  }
0xa4: {  	s25 =	simm.s32 $0x1B8E;
	s24 =	sld [smem:$0x3FFE];
	[sflag:s23] =	ssyncadd.s32 $0xFFFFFFFF  }
0xa5: {  	s26 =	simm.s32 $execute0_lowered;
	[smem:$0x3FD2] =	sst s25  }
0xa6: {  	s5 =	sshll.u32 s26, $0x1;
	_ =	strace $0x80000046;
	[dreg:$0x1] =	wrdreg $0xFFFFFFFF  }
0xa7: {  	s28 =	simm.s32 $_size_execute0_lowered;
	s3 =	sadd.s32 s3, s5;
	[dreg:$0x0] =	wrdreg $0x0  }
0xa8: {  	s5 =	sshll.u32 s28, $0x1;
	[dreg:$0x2] =	wrdreg s3  }
0xa9: {  	[dreg:$0x3] =	wrdreg s5  }
0xaa: {  	[dreg:$0x4] =	wrdreg $0xC0  }
0xab: {  	_ =	task [dreg:s7], $0x5FFFF  }
0xac: {  	[dreg:$0x1] =	wrdreg $0xFFFFFFFF  }
0xad: {  	[dreg:$0x0] =	wrdreg $0x60  }
0xae: {  	[dreg:$0x2] =	wrdreg s24  }
0xaf: {  	[dreg:$0x3] =	wrdreg s2  }
0xb0: {  	[dreg:$0x4] =	wrdreg $0x3800  }
0xb1: {  	[dreg:$0x5] =	wrdreg $0x9  }
0xb2: {  	_ =	task.clear_ibuf [dreg:s7], $0x6FFFF;
	_ =	strace $0x90000046  }
0xb3: {  	s29 =	simm.s32 $0x9;
	_ =	strace $0x80000048  }
0xb4: {  	_ =	swait.ge [sflag:s29], $0x1  }
0xb5: {  	[sflag:s29] =	ssyncadd.s32 $0xFFFFFFFF  }
0xb6: {  	_ =	strace $0x90000048  }
0xb7: {  	_ =	sfence  }
0xb8: {  	s30 =	sld [smem:$0x0];
	_ =	sdelay $0x2  }
0xb9: {  	s31 =	sshll.u32 s1, $0xD;
	s1 =	sshrl.u32 s1, $0x2  }
0xba: {  	s3 =	sand.u32 $0x4000, s31;
	s1 =	sadd.s32 s1, s30  }
0xbb: {  	s0 =	sor.u32 s3, s0;
	s1 =	sshll.u32 s1, $0x11  }
0xbc: {  	s0 =	sor.u32 s1, s0  }
0xbd: {  	s0 =	sadd.s32 $0x8F2B, s0  }
0xbe: {  	[sflag:s0] =	ssyncadd.remote.s32 $0x1  }
0xbf: {  	_ =	sfence.sel $0xFFFF  }
0xc0: {  	[dreg:$0x0] =	wrdreg $0xFFFFFFFF;
	(pc) =	sbr.abs _section_cstart, $3  }
0xc1: {  	[dreg:$0x1] =	wrdreg $0xFFFFFFFF  }
0xc2: {  	_ =	task.clear_ibuf [dreg:s7], $0x2FFFF;
	_ =	strace $0x9FFFFFFF  }
0xc3: {  	(tm) =	ssettm $0x7FFFFFFF  }
tec
execute0_lowered:
.L_overlay_start_1:
0x0: {  	(tag) =	ssettag $0x1  }
0x1: {  	s4 =	rddreg [dreg:$0x0]  }
0x2: {  	s5 =	rddreg [dreg:$0x1];
	s0 =	srdreg.scid  }
0x3: {  	s2 =	rddreg [dreg:$0x2];
	s1 =	stileid.u32  }
0x4: {  	s3 =	simm.s32 $0x0;
	s11 =	simm.s32 $0x80;
	s14 =	simm.s32 $0x20  }
0x5: {  	s15 =	simm.s32 $0x10;
	s16 =	simm.s32 $0x0;
	s8 =	smul.u32 $0x2710, s1  }
0x6: {  	s6 =	sand.u32 $0x1, s0;
	s0 =	rddreg [dreg:$0x3];
	s28 =	smul.u32 $0x500, s1  }
0x7: {  	[smem:$0x7FF] =	sst s3;
	s9 =	smul.u32 $0xA00, s1;
	s12 =	sshll.u32 s1, $0x6  }
0x8: {  	s7 =	smul.u32 $0x27100, s6;
	_ =	strace $0x80000047;
	s10 =	sshll.u32 s6, $0x7  }
0x9: {  	s29 =	ssub.s32 $0x2, s6;
	s12 =	sor.u32 $0x1C01, s12;
	s30 =	sor.u32 s10, s28  }
0xa: {  	s31 =	sshrl.u32 s29, $0x1;
	s9 =	sshrl.u32 s9, $0x2;
	s10 =	simm.s32 $0x50  }
0xb: {  	s7 =	sadd.s32 s8, s7;
	s6 =	sshrl.u32 s30, $0x3;
	s8 =	ssub.s32 s29, s31  }
0xc: {  	s7 =	sshrl.u32 s7, $0x3;
	s5 =	sadd.s32 s5, s6;
	s6 =	smax.u32 s8, $0x1  }
0xd: {  	s8 =	simm.s32 $0x100;
	s7 =	sadd.s32 s7, s4;
	s4 =	sadd.s32 s9, s2  }
0xe: {  	v0 =	vimm.f32 $1.000000000e+00;
	v1 =	vimm.f32 $0.0e+00;
	s9 =	simm.s32 $0x1;
	s7 =	sadd.s32 $0xC200, s7;
	s13 =	sshrl.u32 s4, $0x3  }
.LBB2_1:
0xf: {  	[tilespmem:$0x80] =	vst v0  }
0x10: {  	[tilespmem:$0x90] =	vst v0  }
0x11: {  	[tilespmem:$0xA0] =	vst v0  }
0x12: {  	[tilespmem:$0xB0] =	vst v0  }
0x13: {  	[tilespmem:$0xC0] =	vst v0  }
0x14: {  	[tilespmem:$0x100] =	vst v1  }
0x15: {  	[tilespmem:$0x110] =	vst v1  }
0x16: {  	[tilespmem:$0x120] =	vst v1  }
0x17: {  	[tilespmem:$0x130] =	vst v1  }
0x18: {  	[tilespmem:$0x140] =	vst v1  }
0x19: {  	[tilespmem:$0x150] =	vst v1  }
0x1a: {  	[tilespmem:$0x160] =	vst v1  }
0x1b: {  	[tilespmem:$0x170] =	vst v1  }
0x1c: {  	[tilespmem:$0x180] =	vst v1  }
0x1d: {  	[tilespmem:$0x190] =	vst v1  }
0x1e: {  	[tilespmem:$0x1A0] =	vst v1  }
0x1f: {  	[tilespmem:$0x1B0] =	vst v1  }
0x20: {  	[tilespmem:$0x1C0] =	vst v1  }
0x21: {  	[tilespmem:$0x1D0] =	vst v1  }
0x22: {  	[tilespmem:$0x1E0] =	vst v1  }
0x23: {  	[tilespmem:$0x1F0] =	vst v1  }
0x24: {  	[tilespmem:$0x200] =	vst v1  }
0x25: {  	[tilespmem:$0x210] =	vst v1  }
0x26: {  	[tilespmem:$0x220] =	vst v1  }
0x27: {  	[tilespmem:$0x230] =	vst v1  }
0x28: {  	[tilespmem:$0x240] =	vst v1  }
0x29: {  	[tilespmem:$0x250] =	vst v1  }
0x2a: {  	[tilespmem:$0x260] =	vst v1  }
0x2b: {  	[tilespmem:$0x270] =	vst v1  }
0x2c: {  	[tilespmem:$0x280] =	vst v1  }
0x2d: {  	[tilespmem:$0x290] =	vst v1  }
0x2e: {  	[tilespmem:$0x2A0] =	vst v1  }
0x2f: {  	[tilespmem:$0x2B0] =	vst v1  }
0x30: {  	[tilespmem:$0x2C0] =	vst v1  }
0x31: {  	[tilespmem:$0x2D0] =	vst v1  }
0x32: {  	[tilespmem:$0x2E0] =	vst v1  }
0x33: {  	[tilespmem:$0x2F0] =	vst v1  }
0x34: {  	[tilespmem:$0x300] =	vst v1  }
0x35: {  	[tilespmem:$0x310] =	vst v1  }
0x36: {  	[tilespmem:$0x320] =	vst v1  }
0x37: {  	[tilespmem:$0x330] =	vst v1  }
0x38: {  	[tilespmem:$0x340] =	vst v1  }
0x39: {  	[tilespmem:$0x350] =	vst v1  }
0x3a: {  	[tilespmem:$0x360] =	vst v1  }
0x3b: {  	[tilespmem:$0x370] =	vst v1  }
0x3c: {  	[spmem:s4] =	stream.linear.scatter [tilespmem:s8], [sflag:$0x1], $0x280, $0x38;
	[tilespmem:$0x600] =	vst v63  }
0x3d: {  	_ =	swait.ge [sflag:s9], $0x280  }
0x3e: {  	[sflag:s9] =	ssyncset.done $0x0  }
0x3f: {  	[sflag:s9] =	ssyncadd.s32 $0xFFFFFD80  }
0x40: {  	s17 =	sadd.s32 $0x0, s7;
	[bflag:$0x0] =	sbarrier.arrive $0xFFFF  }
0x41: {  	[tilespmem:s3], [sflag:$0x1] =	stream.linear.gather [hbm4b:s17+s3], $0x50, $0x38;
	[tilespmem:$0x600] =	vst v63  }
0x42: {  	_ =	swait.ge [sflag:s9], $0x50  }
0x43: {  	[sflag:s9] =	ssyncset.done $0x0  }
0x44: {  	[sflag:s9] =	ssyncadd.s32 $0xFFFFFFB0  }
0x45: {  	[spmem:s2] =	stream.indirect.scatter.add.f32 [tilespmem:s11], [sflag:$0x1], $0x1, s3, s10, $0xb8;
	[tilespmem:$0x600] =	vst v63  }
0x46: {  	_ =	swait.ge [sflag:s9], $0x50  }
0x47: {  	s18 =	simm.s32 $0x14;
	s17 =	simm.s32 $0xA;
	[sflag:s9] =	ssyncset.done $0x0  }
.LBB2_2:
0x48: {  	s19 =	sadd.s32 s17, s7  }
0x49: {  	[sflag:s9] =	ssyncadd.s32 $0xFFFFFFB0;
	s17 =	smov.u32 s18;
	s20 =	sadd.s32 $0xA, s18  }
0x4a: {  	[tilespmem:s3], [sflag:$0x1] =	stream.linear.gather [hbm4b:s19+s3], $0x50, $0x38;
	[tilespmem:$0x600] =	vst v63  }
0x4b: {  	p0 =	sne.s32 s18, $0x4D8;
	_ =	swait.ge [sflag:s9], $0x50  }
.Ltmp0:
0x4c: {  	[sflag:s9] =	ssyncset.done $0x0;
	(pc) =	sbr.rel @p0 .LBB2_2-.Ltmp0, $4  }
0x4d: {  	[sflag:s9] =	ssyncadd.s32 $0xFFFFFFB0  }
0x4e: {  	[spmem:s2] =	stream.indirect.scatter.add.f32 [tilespmem:s11], [sflag:$0x1], $0x1, s3, s10, $0xb8;
	[tilespmem:$0x600] =	vst v63  }
0x4f: {  	_ =	swait.ge [sflag:s9], $0x50  }
0x50: {  	s18 =	smov.u32 s20;
	[sflag:s9] =	ssyncset.done $0x0  }
0x51: {  	s17 =	sadd.s32 s17, s7;
	[sflag:s9] =	ssyncadd.s32 $0xFFFFFFB0  }
0x52: {  	[tilespmem:s3], [sflag:$0x1] =	stream.linear.gather [hbm4b:s17+s3], $0x50, $0x38;
	[tilespmem:$0x600] =	vst v63  }
0x53: {  	_ =	swait.ge [sflag:s9], $0x50  }
0x54: {  	[sflag:s9] =	ssyncset.done $0x0  }
0x55: {  	[sflag:s9] =	ssyncadd.s32 $0xFFFFFFB0  }
0x56: {  	[spmem:s2] =	stream.indirect.scatter.add.f32 [tilespmem:s11], [sflag:$0x1], $0x1, s3, s10, $0xb8;
	[tilespmem:$0x600] =	vst v63  }
0x57: {  	_ =	swait.ge [sflag:s9], $0x50  }
0x58: {  	s16 =	sadd.s32 $0x1, s16;
	[sflag:s9] =	ssyncset.done $0x0  }
0x59: {  	p0 =	sne.s32 s16, s6;
	[sflag:s9] =	ssyncadd.s32 $0xFFFFFFB0  }
.Ltmp1:
0x5a: {  	[bflag:$0x0] =	sbarrier.arrive $0xFFFF;
	(pc) =	sbr.rel @p0 .LBB2_1-.Ltmp1, $4  }
0x5b: {  	[hbm:s5@s14], [sflag:s12] =	dma.strided [spmem:s13@s15], $0x50, s9, $0x10   }
0x5c: {  	_ =	swait.ge [sflag:s9], $0x50  }
0x5d: {  	[sflag:s9] =	ssyncset.done $0x0  }
0x5e: {  	[sflag:s9] =	ssyncadd.s32 $0xFFFFFFB0  }
0x5f: {  	_ =	sfence.sel $0x180000  }
0x60: {  	[bflag:$0x0] =	sbarrier.arrive $0xFFFF  }
0x61: {  	p0 =	sne.s32 s1, $0x0;
	_ =	strace $0x90000047  }
0x62: {  	s0 =	sadd.s32 @!p0 $0x100000, s0;
	[bflag:$0x2] =	sbarrier.arrive $0xFFFF  }
0x63: {  	[sflag:s0] =	ssyncadd.tile.s32 @!p0 $0x1;
	_ =	shalt  }
.Lfunc_end2:
_tile_overlayer_lowered:
.L_overlay_start_2:
0x64: {  	(tag) =	ssettag $0x2  }
0x65: {  	s0 =	rddreg [dreg:$0x0];
	s2 =	stileid.u32  }
0x66: {  	s1 =	rddreg [dreg:$0x1];
	p0 =	sne.s32 s2, $0x0  }
0x67: {  	s3 =	rddreg [dreg:$0x2];
	[bflag:$0x3] =	sbarrier.arrive $0xFFFF;
	s2 =	simm.s32 @!p0 $0x1C01  }
0x68: {  	[timem:s3], [sflag:s2] =	dma.local @!p0 [hbm:s0], s1  }
0x69: {  	s0 =	simm.s32 @!p0 $0x1  }
0x6a: {  	_ =	swait.ge @!p0 [sflag:s0], s1  }
0x6b: {  	s1 =	ssub.s32 @!p0 $0x0, s1;
	[sflag:s0] =	ssyncset.done @!p0 $0x0  }
0x6c: {  	[sflag:s0] =	ssyncadd.s32 @!p0 s1  }
0x6d: {  	[bflag:$0x3] =	sbarrier.arrive $0xFFFF  }
0x6e: {  	_ =	shalt  }

</sc_bundles>
